<compile_context>
chip_gen: v7x
topology: tpu7x:2x2x1
jax: 0.10.2.dev20260603
libtpu: 0.0.44.dev20260713+nightly
codegen_flags: <defaults>
</compile_context>

<pallas_src>
import jax
import jax.numpy as jnp
from jax import lax
from jax.experimental import pallas as pl
from jax.experimental.pallas import tpu as pltpu
from jax.experimental.pallas import tpu_sc as plsc

B, N = 64, 8192
LANES = 16
NUM_CORES = 2
NUM_SUBCORES = 16
NUM_WORKERS = NUM_CORES * NUM_SUBCORES
ROWS_PER_WORKER = B // NUM_WORKERS
NBLK = N // LANES


def _softplus_body(score_ref, out_ref):
    s = score_ref[...]
    sp = jnp.maximum(s, 0.0) + jnp.log1p(jnp.exp(-jnp.abs(s)))
    out_ref[0, 0] = jnp.sum(sp)


def _softplus_sum(score):
    return pl.pallas_call(
        _softplus_body,
        out_shape=jax.ShapeDtypeStruct((1, 1), jnp.float32),
        out_specs=pl.BlockSpec(memory_space=pltpu.SMEM),
    )(score)


def _shuffle(x, idx):
    dnums = lax.GatherDimensionNumbers(
        offset_dims=(), collapsed_slice_dims=(0,), start_index_map=(0,)
    )
    return lax.gather(
        x,
        idx[:, None],
        dnums,
        (1,),
        mode=lax.GatherScatterMode.PROMISE_IN_BOUNDS,
    )


def _bfly_min(x):
    lane = lax.iota(jnp.int32, LANES)
    for sh in (8, 4, 2, 1):
        x = jnp.minimum(x, _shuffle(x, lane ^ sh))
    return x


def _bfly_sum(x):
    lane = lax.iota(jnp.int32, LANES)
    for sh in (8, 4, 2, 1):
        x = x + _shuffle(x, lane ^ sh)
    return x


def _insert(state, x, i):
    a0, a1, a2, a3, i0, i1, i2, i3 = state
    c = x < a3
    a3 = jnp.where(c, x, a3)
    i3 = jnp.where(c, i, i3)
    c = a3 < a2
    a2, a3 = jnp.where(c, a3, a2), jnp.where(c, a2, a3)
    i2, i3 = jnp.where(c, i3, i2), jnp.where(c, i2, i3)
    c = a2 < a1
    a1, a2 = jnp.where(c, a2, a1), jnp.where(c, a1, a2)
    i1, i2 = jnp.where(c, i2, i1), jnp.where(c, i1, i2)
    c = a1 < a0
    a0, a1 = jnp.where(c, a1, a0), jnp.where(c, a0, a1)
    i0, i1 = jnp.where(c, i1, i0), jnp.where(c, i0, i1)
    return (a0, a1, a2, a3, i0, i1, i2, i3)


def _merge_and_gather(state, sco_v):
    a0, a1, a2, a3, i0, i1, i2, i3 = state
    lane = lax.iota(jnp.int32, LANES)
    inf = jnp.float32(jnp.inf)
    idxs = jnp.zeros((LANES,), jnp.int32)
    for k in range(4):
        tv = _bfly_min(a0)
        ti = _bfly_min(jnp.where(a0 == tv, i0, N))
        idxs = jnp.where(lane == k, ti, idxs)
        pop = (a0 == tv) & (i0 == ti)
        a0 = jnp.where(pop, a1, a0)
        i0 = jnp.where(pop, i1, i0)
        a1 = jnp.where(pop, a2, a1)
        i1 = jnp.where(pop, i2, i1)
        a2 = jnp.where(pop, a3, a2)
        i2 = jnp.where(pop, i3, i2)
        a3 = jnp.where(pop, inf, a3)
        i3 = jnp.where(pop, N, i3)
    g = plsc.load_gather(sco_v, [idxs])
    return _bfly_sum(jnp.where(lane < 4, g, 0.0))


def _sc_body(
    score_hbm, error_hbm, out_hbm, e0, e1, s0, s1, res_v, sm0, sm1, sm2, sm3
):
    wid = lax.axis_index("s") * NUM_CORES + lax.axis_index("c")
    r0 = wid * ROWS_PER_WORKER
    r1 = r0 + 1
    H = N // 4
    R = N - H
    ha0 = pltpu.async_copy(error_hbm.at[r0, pl.ds(0, H)], e0.at[pl.ds(0, H)], sm0)
    ha1 = pltpu.async_copy(error_hbm.at[r1, pl.ds(0, H)], e1.at[pl.ds(0, H)], sm1)
    hb0 = pltpu.async_copy(
        error_hbm.at[r0, pl.ds(H, R)], e0.at[pl.ds(H, R)], sm2
    )
    hb1 = pltpu.async_copy(
        error_hbm.at[r1, pl.ds(H, R)], e1.at[pl.ds(H, R)], sm3
    )
    ha0.wait()
    ha1.wait()
    hs0 = pltpu.async_copy(score_hbm.at[r0], s0, sm0)
    hs1 = pltpu.async_copy(score_hbm.at[r1], s1, sm1)

    lane = lax.iota(jnp.int32, LANES)
    inf = jnp.float32(jnp.inf)
    va = jnp.full((LANES,), inf, jnp.float32)
    vi = jnp.full((LANES,), N, jnp.int32)
    init = (va, va, va, va, vi, vi, vi, vi)

    def body(j, carry):
        st0, st1 = carry
        base = j * LANES
        i = base + lane
        st0 = _insert(st0, e0[pl.ds(base, LANES)], i)
        st1 = _insert(st1, e1[pl.ds(base, LANES)], i)
        return st0, st1

    st0, st1 = lax.fori_loop(0, NBLK // 4, body, (init, init))
    hb0.wait()
    hb1.wait()
    st0, st1 = lax.fori_loop(NBLK // 4, NBLK, body, (st0, st1))

    hs0.wait()
    hs1.wait()
    sum0 = _merge_and_gather(st0, s0)
    sum1 = _merge_and_gather(st1, s1)
    res_v[...] = jnp.where(lane == 0, sum0 + sum1, 0.0)
    pltpu.sync_copy(res_v, out_hbm.at[wid])


def _selected_sums(score, error):
    mesh = plsc.VectorSubcoreMesh(
        core_axis_name="c",
        subcore_axis_name="s",
        num_cores=NUM_CORES,
        num_subcores=NUM_SUBCORES,
    )
    k = pl.kernel(
        _sc_body,
        out_type=jax.ShapeDtypeStruct((NUM_WORKERS, LANES), jnp.float32),
        mesh=mesh,
        scratch_types=[
            pltpu.VMEM((N,), jnp.float32),
            pltpu.VMEM((N,), jnp.float32),
            pltpu.VMEM((N,), jnp.float32),
            pltpu.VMEM((N,), jnp.float32),
            pltpu.VMEM((LANES,), jnp.float32),
            pltpu.SemaphoreType.DMA,
            pltpu.SemaphoreType.DMA,
            pltpu.SemaphoreType.DMA,
            pltpu.SemaphoreType.DMA,
        ],
        compiler_params=pltpu.CompilerParams(
            needs_layout_passes=False, skip_device_barrier=True
        ),
    )
    return k(score, error)


def kernel(score, error):
    sp_sum = _softplus_sum(score)[0, 0]
    sel = _selected_sums(score, error)
    sel_sum = jnp.sum(sel)
    return (sp_sum - sel_sum) / (B * N)

# --- scband reference (transcript-rebuilt; emitter-appended) ---
"""Pipeline reference for scband-discriminative-loss-2963527434416 (READ-ONLY COPY).

The authoritative reference and input builder live on the scoring server;
editing this copy changes nothing except your own understanding.
"""

import jax, jax.numpy as jnp
import numpy as np


def setup_inputs(seed: int = 0) -> dict:
    key = jax.random.key(seed)
    k1, k2 = jax.random.split(key)
    score = jax.random.normal(k1, (64, 8192), dtype=jnp.float32)
    error = jax.random.normal(k2, (64, 8192), dtype=jnp.float32)
    return {"score": score, "error": error}


def reference(score, error):
    # rank of each element along last dim (double argsort)
    rank = jnp.argsort(jnp.argsort(error, axis=-1), axis=-1)
    label = (rank < 4).astype(jnp.float32)
    # numerically-stable binary_cross_entropy_with_logits (elementwise)
    loss = jnp.maximum(score, 0.0) - score * label + jnp.log1p(jnp.exp(-jnp.abs(score)))
    return loss.mean()

if __name__ == "__main__":
    import jax
    _d = setup_inputs()
    print(jax.jit(kernel)(*tuple(_d.values())))

</pallas_src>

<mosaic_0001>
#map = affine_map<(d0, d1) -> (0, 0)>
module attributes {stable_mosaic.version = 14 : i64} {
  func.func @_sc_body(%arg0: i32, %arg1: i32, %arg2: memref<64x8192xf32, #tpu.memory_space<hbm>>, %arg3: memref<64x8192xf32, #tpu.memory_space<hbm>>, %arg4: memref<32x16xf32, #tpu.memory_space<hbm>>, %arg5: memref<8192xf32, #tpu.memory_space<vmem>>, %arg6: memref<8192xf32, #tpu.memory_space<vmem>>, %arg7: memref<8192xf32, #tpu.memory_space<vmem>>, %arg8: memref<8192xf32, #tpu.memory_space<vmem>>, %arg9: memref<16xf32, #tpu.memory_space<vmem>>, %arg10: memref<!tpu.dma_semaphore, #tpu.memory_space<semaphore_mem>>, %arg11: memref<!tpu.dma_semaphore, #tpu.memory_space<semaphore_mem>>, %arg12: memref<!tpu.dma_semaphore, #tpu.memory_space<semaphore_mem>>, %arg13: memref<!tpu.dma_semaphore, #tpu.memory_space<semaphore_mem>>) attributes {dimension_semantics = [#tpu.dimension_semantics<core_parallel>, #tpu.dimension_semantics<subcore_parallel>], iteration_bounds = array<i64: 2, 16>, scalar_prefetch = 0 : i64, scratch_operands = 9 : i64, tpu.core_type = #tpu.core_type<sc_vector_subcore>, window_params = [{transform_indices = #map}, {transform_indices = #map}, {transform_indices = #map}]} {
    %mul3A = arith.constant 2 : i32
    %mul3A_0 = arith.muli %arg1, %mul3A : i32
    %add3A = arith.addi %mul3A_0, %arg0 : i32
    %mul3A_1 = arith.constant 2 : i32
    %mul3A_2 = arith.muli %add3A, %mul3A_1 : i32
    %add3A_3 = arith.constant 1 : i32
    %add3A_4 = arith.addi %mul3A_2, %add3A_3 : i32
    %dma_start3A = arith.constant 0 : i32
    %dma_start3A_5 = tpu.memref_slice %arg5[%dma_start3A] : memref<8192xf32, #tpu.memory_space<vmem>> -> memref<2048xf32, #tpu.memory_space<vmem>>
    %dma_start3A_6 = arith.constant 0 : i32
    %dma_start3A_7 = tpu.memref_slice %arg3[%mul3A_2, %dma_start3A_6] : memref<64x8192xf32, #tpu.memory_space<hbm>> -> memref<1x2048xf32, #tpu.memory_space<hbm>>
    %dma_start3A_8 = tpu.memref_squeeze %dma_start3A_7 : memref<1x2048xf32, #tpu.memory_space<hbm>> -> memref<2048xf32, #tpu.memory_space<hbm>>
    %dma_start3A_9 = arith.constant 0 : i32
    %dma_start3A_10 = tpu.memref_slice %arg5[%dma_start3A_9] : memref<8192xf32, #tpu.memory_space<vmem>> -> memref<2048xf32, #tpu.memory_space<vmem>>
    %dma_start3A_11 = arith.constant 0 : i32
    %dma_start3A_12 = tpu.memref_slice %arg3[%mul3A_2, %dma_start3A_11] : memref<64x8192xf32, #tpu.memory_space<hbm>> -> memref<1x2048xf32, #tpu.memory_space<hbm>>
    %dma_start3A_13 = tpu.memref_squeeze %dma_start3A_12 : memref<1x2048xf32, #tpu.memory_space<hbm>> -> memref<2048xf32, #tpu.memory_space<hbm>>
    tpu.enqueue_dma source(%dma_start3A_13 : memref<2048xf32, #tpu.memory_space<hbm>>) target(%dma_start3A_10 : memref<2048xf32, #tpu.memory_space<vmem>>) target_semaphore(%arg10 : memref<!tpu.dma_semaphore, #tpu.memory_space<semaphore_mem>>)
    %dma_start3A_14 = arith.constant 0 : i32
    %dma_start3A_15 = tpu.memref_slice %arg6[%dma_start3A_14] : memref<8192xf32, #tpu.memory_space<vmem>> -> memref<2048xf32, #tpu.memory_space<vmem>>
    %dma_start3A_16 = arith.constant 0 : i32
    %dma_start3A_17 = tpu.memref_slice %arg3[%add3A_4, %dma_start3A_16] : memref<64x8192xf32, #tpu.memory_space<hbm>> -> memref<1x2048xf32, #tpu.memory_space<hbm>>
    %dma_start3A_18 = tpu.memref_squeeze %dma_start3A_17 : memref<1x2048xf32, #tpu.memory_space<hbm>> -> memref<2048xf32, #tpu.memory_space<hbm>>
    %dma_start3A_19 = arith.constant 0 : i32
    %dma_start3A_20 = tpu.memref_slice %arg6[%dma_start3A_19] : memref<8192xf32, #tpu.memory_space<vmem>> -> memref<2048xf32, #tpu.memory_space<vmem>>
    %dma_start3A_21 = arith.constant 0 : i32
    %dma_start3A_22 = tpu.memref_slice %arg3[%add3A_4, %dma_start3A_21] : memref<64x8192xf32, #tpu.memory_space<hbm>> -> memref<1x2048xf32, #tpu.memory_space<hbm>>
    %dma_start3A_23 = tpu.memref_squeeze %dma_start3A_22 : memref<1x2048xf32, #tpu.memory_space<hbm>> -> memref<2048xf32, #tpu.memory_space<hbm>>
    tpu.enqueue_dma source(%dma_start3A_23 : memref<2048xf32, #tpu.memory_space<hbm>>) target(%dma_start3A_20 : memref<2048xf32, #tpu.memory_space<vmem>>) target_semaphore(%arg11 : memref<!tpu.dma_semaphore, #tpu.memory_space<semaphore_mem>>)
    %dma_start3A_24 = arith.constant 2048 : i32
    %dma_start3A_25 = tpu.memref_slice %arg5[%dma_start3A_24] : memref<8192xf32, #tpu.memory_space<vmem>> -> memref<6144xf32, #tpu.memory_space<vmem>>
    %dma_start3A_26 = arith.constant 2048 : i32
    %dma_start3A_27 = tpu.memref_slice %arg3[%mul3A_2, %dma_start3A_26] : memref<64x8192xf32, #tpu.memory_space<hbm>> -> memref<1x6144xf32, #tpu.memory_space<hbm>>
    %dma_start3A_28 = tpu.memref_squeeze %dma_start3A_27 : memref<1x6144xf32, #tpu.memory_space<hbm>> -> memref<6144xf32, #tpu.memory_space<hbm>>
    %dma_start3A_29 = arith.constant 2048 : i32
    %dma_start3A_30 = tpu.memref_slice %arg5[%dma_start3A_29] : memref<8192xf32, #tpu.memory_space<vmem>> -> memref<6144xf32, #tpu.memory_space<vmem>>
    %dma_start3A_31 = arith.constant 2048 : i32
    %dma_start3A_32 = tpu.memref_slice %arg3[%mul3A_2, %dma_start3A_31] : memref<64x8192xf32, #tpu.memory_space<hbm>> -> memref<1x6144xf32, #tpu.memory_space<hbm>>
    %dma_start3A_33 = tpu.memref_squeeze %dma_start3A_32 : memref<1x6144xf32, #tpu.memory_space<hbm>> -> memref<6144xf32, #tpu.memory_space<hbm>>
    tpu.enqueue_dma source(%dma_start3A_33 : memref<6144xf32, #tpu.memory_space<hbm>>) target(%dma_start3A_30 : memref<6144xf32, #tpu.memory_space<vmem>>) target_semaphore(%arg12 : memref<!tpu.dma_semaphore, #tpu.memory_space<semaphore_mem>>)
    %dma_start3A_34 = arith.constant 2048 : i32
    %dma_start3A_35 = tpu.memref_slice %arg6[%dma_start3A_34] : memref<8192xf32, #tpu.memory_space<vmem>> -> memref<6144xf32, #tpu.memory_space<vmem>>
    %dma_start3A_36 = arith.constant 2048 : i32
    %dma_start3A_37 = tpu.memref_slice %arg3[%add3A_4, %dma_start3A_36] : memref<64x8192xf32, #tpu.memory_space<hbm>> -> memref<1x6144xf32, #tpu.memory_space<hbm>>
    %dma_start3A_38 = tpu.memref_squeeze %dma_start3A_37 : memref<1x6144xf32, #tpu.memory_space<hbm>> -> memref<6144xf32, #tpu.memory_space<hbm>>
    %dma_start3A_39 = arith.constant 2048 : i32
    %dma_start3A_40 = tpu.memref_slice %arg6[%dma_start3A_39] : memref<8192xf32, #tpu.memory_space<vmem>> -> memref<6144xf32, #tpu.memory_space<vmem>>
    %dma_start3A_41 = arith.constant 2048 : i32
    %dma_start3A_42 = tpu.memref_slice %arg3[%add3A_4, %dma_start3A_41] : memref<64x8192xf32, #tpu.memory_space<hbm>> -> memref<1x6144xf32, #tpu.memory_space<hbm>>
    %dma_start3A_43 = tpu.memref_squeeze %dma_start3A_42 : memref<1x6144xf32, #tpu.memory_space<hbm>> -> memref<6144xf32, #tpu.memory_space<hbm>>
    tpu.enqueue_dma source(%dma_start3A_43 : memref<6144xf32, #tpu.memory_space<hbm>>) target(%dma_start3A_40 : memref<6144xf32, #tpu.memory_space<vmem>>) target_semaphore(%arg13 : memref<!tpu.dma_semaphore, #tpu.memory_space<semaphore_mem>>)
    %dma_wait3A = arith.constant 0 : i32
    %dma_wait3A_44 = tpu.memref_slice %arg5[%dma_wait3A] : memref<8192xf32, #tpu.memory_space<vmem>> -> memref<2048xf32, #tpu.memory_space<vmem>>
    %dma_wait3A_45 = arith.constant 0 : i32
    %dma_wait3A_46 = tpu.memref_slice %arg3[%mul3A_2, %dma_wait3A_45] : memref<64x8192xf32, #tpu.memory_space<hbm>> -> memref<1x2048xf32, #tpu.memory_space<hbm>>
    %dma_wait3A_47 = tpu.memref_squeeze %dma_wait3A_46 : memref<1x2048xf32, #tpu.memory_space<hbm>> -> memref<2048xf32, #tpu.memory_space<hbm>>
    %dma_wait3A_48 = arith.constant 0 : i32
    %dma_wait3A_49 = tpu.memref_slice %arg5[%dma_wait3A_48] : memref<8192xf32, #tpu.memory_space<vmem>> -> memref<2048xf32, #tpu.memory_space<vmem>>
    %dma_wait3A_50 = arith.constant 0 : i32
    %dma_wait3A_51 = tpu.memref_slice %arg3[%mul3A_2, %dma_wait3A_50] : memref<64x8192xf32, #tpu.memory_space<hbm>> -> memref<1x2048xf32, #tpu.memory_space<hbm>>
    %dma_wait3A_52 = tpu.memref_squeeze %dma_wait3A_51 : memref<1x2048xf32, #tpu.memory_space<hbm>> -> memref<2048xf32, #tpu.memory_space<hbm>>
    tpu.wait_dma2 semaphore(%arg10 : memref<!tpu.dma_semaphore, #tpu.memory_space<semaphore_mem>>) src(%dma_wait3A_52 : memref<2048xf32, #tpu.memory_space<hbm>>) dst(%dma_wait3A_49 : memref<2048xf32, #tpu.memory_space<vmem>>)
    %dma_wait3A_53 = arith.constant 0 : i32
    %dma_wait3A_54 = tpu.memref_slice %arg6[%dma_wait3A_53] : memref<8192xf32, #tpu.memory_space<vmem>> -> memref<2048xf32, #tpu.memory_space<vmem>>
    %dma_wait3A_55 = arith.constant 0 : i32
    %dma_wait3A_56 = tpu.memref_slice %arg3[%add3A_4, %dma_wait3A_55] : memref<64x8192xf32, #tpu.memory_space<hbm>> -> memref<1x2048xf32, #tpu.memory_space<hbm>>
    %dma_wait3A_57 = tpu.memref_squeeze %dma_wait3A_56 : memref<1x2048xf32, #tpu.memory_space<hbm>> -> memref<2048xf32, #tpu.memory_space<hbm>>
    %dma_wait3A_58 = arith.constant 0 : i32
    %dma_wait3A_59 = tpu.memref_slice %arg6[%dma_wait3A_58] : memref<8192xf32, #tpu.memory_space<vmem>> -> memref<2048xf32, #tpu.memory_space<vmem>>
    %dma_wait3A_60 = arith.constant 0 : i32
    %dma_wait3A_61 = tpu.memref_slice %arg3[%add3A_4, %dma_wait3A_60] : memref<64x8192xf32, #tpu.memory_space<hbm>> -> memref<1x2048xf32, #tpu.memory_space<hbm>>
    %dma_wait3A_62 = tpu.memref_squeeze %dma_wait3A_61 : memref<1x2048xf32, #tpu.memory_space<hbm>> -> memref<2048xf32, #tpu.memory_space<hbm>>
    tpu.wait_dma2 semaphore(%arg11 : memref<!tpu.dma_semaphore, #tpu.memory_space<semaphore_mem>>) src(%dma_wait3A_62 : memref<2048xf32, #tpu.memory_space<hbm>>) dst(%dma_wait3A_59 : memref<2048xf32, #tpu.memory_space<vmem>>)
    %dma_start3A_63 = arith.constant 0 : i32
    %dma_start3A_64 = tpu.memref_slice %arg2[%mul3A_2, %dma_start3A_63] : memref<64x8192xf32, #tpu.memory_space<hbm>> -> memref<1x8192xf32, #tpu.memory_space<hbm>>
    %dma_start3A_65 = tpu.memref_squeeze %dma_start3A_64 : memref<1x8192xf32, #tpu.memory_space<hbm>> -> memref<8192xf32, #tpu.memory_space<hbm>>
    %dma_start3A_66 = arith.constant 0 : i32
    %dma_start3A_67 = tpu.memref_slice %arg2[%mul3A_2, %dma_start3A_66] : memref<64x8192xf32, #tpu.memory_space<hbm>> -> memref<1x8192xf32, #tpu.memory_space<hbm>>
    %dma_start3A_68 = tpu.memref_squeeze %dma_start3A_67 : memref<1x8192xf32, #tpu.memory_space<hbm>> -> memref<8192xf32, #tpu.memory_space<hbm>>
    tpu.enqueue_dma source(%dma_start3A_68 : memref<8192xf32, #tpu.memory_space<hbm>>) target(%arg7 : memref<8192xf32, #tpu.memory_space<vmem>>) target_semaphore(%arg10 : memref<!tpu.dma_semaphore, #tpu.memory_space<semaphore_mem>>)
    %dma_start3A_69 = arith.constant 0 : i32
    %dma_start3A_70 = tpu.memref_slice %arg2[%add3A_4, %dma_start3A_69] : memref<64x8192xf32, #tpu.memory_space<hbm>> -> memref<1x8192xf32, #tpu.memory_space<hbm>>
    %dma_start3A_71 = tpu.memref_squeeze %dma_start3A_70 : memref<1x8192xf32, #tpu.memory_space<hbm>> -> memref<8192xf32, #tpu.memory_space<hbm>>
    %dma_start3A_72 = arith.constant 0 : i32
    %dma_start3A_73 = tpu.memref_slice %arg2[%add3A_4, %dma_start3A_72] : memref<64x8192xf32, #tpu.memory_space<hbm>> -> memref<1x8192xf32, #tpu.memory_space<hbm>>
    %dma_start3A_74 = tpu.memref_squeeze %dma_start3A_73 : memref<1x8192xf32, #tpu.memory_space<hbm>> -> memref<8192xf32, #tpu.memory_space<hbm>>
    tpu.enqueue_dma source(%dma_start3A_74 : memref<8192xf32, #tpu.memory_space<hbm>>) target(%arg8 : memref<8192xf32, #tpu.memory_space<vmem>>) target_semaphore(%arg11 : memref<!tpu.dma_semaphore, #tpu.memory_space<semaphore_mem>>)
    %iota3A = tpu.iota {dimensions = array<i32: 0>} : vector<16xi32>
    %broadcast_in_dim3A = arith.constant 0x7F800000 : f32
    %broadcast_in_dim3A_75 = vector.broadcast %broadcast_in_dim3A : f32 to vector<16xf32>
    %broadcast_in_dim3A_76 = arith.constant 8192 : i32
    %broadcast_in_dim3A_77 = vector.broadcast %broadcast_in_dim3A_76 : i32 to vector<16xi32>
    %scan3A = arith.constant 0 : i32
    %scan3A_78 = arith.constant 128 : i32
    %scan3A_79 = arith.addi %scan3A, %scan3A_78 : i32
    %scan3A_80 = arith.constant 1 : i32
    %scan3A_81:16 = scf.for %scan3A_847 = %scan3A to %scan3A_79 step %scan3A_80 iter_args(%scan3A_848 = %broadcast_in_dim3A_75, %scan3A_849 = %broadcast_in_dim3A_75, %scan3A_850 = %broadcast_in_dim3A_75, %scan3A_851 = %broadcast_in_dim3A_75, %scan3A_852 = %broadcast_in_dim3A_77, %scan3A_853 = %broadcast_in_dim3A_77, %scan3A_854 = %broadcast_in_dim3A_77, %scan3A_855 = %broadcast_in_dim3A_77, %scan3A_856 = %broadcast_in_dim3A_75, %scan3A_857 = %broadcast_in_dim3A_75, %scan3A_858 = %broadcast_in_dim3A_75, %scan3A_859 = %broadcast_in_dim3A_75, %scan3A_860 = %broadcast_in_dim3A_77, %scan3A_861 = %broadcast_in_dim3A_77, %scan3A_862 = %broadcast_in_dim3A_77, %scan3A_863 = %broadcast_in_dim3A_77) -> (vector<16xf32>, vector<16xf32>, vector<16xf32>, vector<16xf32>, vector<16xi32>, vector<16xi32>, vector<16xi32>, vector<16xi32>, vector<16xf32>, vector<16xf32>, vector<16xf32>, vector<16xf32>, vector<16xi32>, vector<16xi32>, vector<16xi32>, vector<16xi32>)  : i32 {
      %mul3A_864 = arith.constant 16 : i32
      %mul3A_865 = arith.muli %scan3A_847, %mul3A_864 : i32
      %add3A_866 = vector.broadcast %mul3A_865 : i32 to vector<16xi32>
      %add3A_867 = arith.addi %add3A_866, %iota3A : vector<16xi32>
      %get3A = arith.index_cast %mul3A_865 : i32 to index
      %get3A_868 = tpu.vector_load %arg5[%get3A] {strides = array<i32>} : memref<8192xf32, #tpu.memory_space<vmem>>, vector<16xf32>,
      %lt3A_869 = arith.cmpf olt, %get3A_868, %scan3A_851 : vector<16xf32>
      %select_n3A_870 = arith.select %lt3A_869, %get3A_868, %scan3A_851 : vector<16xi1>, vector<16xf32>
      %select_n3A_871 = arith.select %lt3A_869, %add3A_867, %scan3A_855 : vector<16xi1>, vector<16xi32>
      %lt3A_872 = arith.cmpf olt, %select_n3A_870, %scan3A_850 : vector<16xf32>
      %select_n3A_873 = arith.select %lt3A_872, %select_n3A_870, %scan3A_850 : vector<16xi1>, vector<16xf32>
      %select_n3A_874 = arith.select %lt3A_872, %scan3A_850, %select_n3A_870 : vector<16xi1>, vector<16xf32>
      %select_n3A_875 = arith.select %lt3A_872, %select_n3A_871, %scan3A_854 : vector<16xi1>, vector<16xi32>
      %select_n3A_876 = arith.select %lt3A_872, %scan3A_854, %select_n3A_871 : vector<16xi1>, vector<16xi32>
      %lt3A_877 = arith.cmpf olt, %select_n3A_873, %scan3A_849 : vector<16xf32>
      %select_n3A_878 = arith.select %lt3A_877, %select_n3A_873, %scan3A_849 : vector<16xi1>, vector<16xf32>
      %select_n3A_879 = arith.select %lt3A_877, %scan3A_849, %select_n3A_873 : vector<16xi1>, vector<16xf32>
      %select_n3A_880 = arith.select %lt3A_877, %select_n3A_875, %scan3A_853 : vector<16xi1>, vector<16xi32>
      %select_n3A_881 = arith.select %lt3A_877, %scan3A_853, %select_n3A_875 : vector<16xi1>, vector<16xi32>
      %lt3A_882 = arith.cmpf olt, %select_n3A_878, %scan3A_848 : vector<16xf32>
      %select_n3A_883 = arith.select %lt3A_882, %select_n3A_878, %scan3A_848 : vector<16xi1>, vector<16xf32>
      %select_n3A_884 = arith.select %lt3A_882, %scan3A_848, %select_n3A_878 : vector<16xi1>, vector<16xf32>
      %select_n3A_885 = arith.select %lt3A_882, %select_n3A_880, %scan3A_852 : vector<16xi1>, vector<16xi32>
      %select_n3A_886 = arith.select %lt3A_882, %scan3A_852, %select_n3A_880 : vector<16xi1>, vector<16xi32>
      %get3A_887 = arith.index_cast %mul3A_865 : i32 to index
      %get3A_888 = tpu.vector_load %arg6[%get3A_887] {strides = array<i32>} : memref<8192xf32, #tpu.memory_space<vmem>>, vector<16xf32>,
      %lt3A_889 = arith.cmpf olt, %get3A_888, %scan3A_859 : vector<16xf32>
      %select_n3A_890 = arith.select %lt3A_889, %get3A_888, %scan3A_859 : vector<16xi1>, vector<16xf32>
      %select_n3A_891 = arith.select %lt3A_889, %add3A_867, %scan3A_863 : vector<16xi1>, vector<16xi32>
      %lt3A_892 = arith.cmpf olt, %select_n3A_890, %scan3A_858 : vector<16xf32>
      %select_n3A_893 = arith.select %lt3A_892, %select_n3A_890, %scan3A_858 : vector<16xi1>, vector<16xf32>
      %select_n3A_894 = arith.select %lt3A_892, %scan3A_858, %select_n3A_890 : vector<16xi1>, vector<16xf32>
      %select_n3A_895 = arith.select %lt3A_892, %select_n3A_891, %scan3A_862 : vector<16xi1>, vector<16xi32>
      %select_n3A_896 = arith.select %lt3A_892, %scan3A_862, %select_n3A_891 : vector<16xi1>, vector<16xi32>
      %lt3A_897 = arith.cmpf olt, %select_n3A_893, %scan3A_857 : vector<16xf32>
      %select_n3A_898 = arith.select %lt3A_897, %select_n3A_893, %scan3A_857 : vector<16xi1>, vector<16xf32>
      %select_n3A_899 = arith.select %lt3A_897, %scan3A_857, %select_n3A_893 : vector<16xi1>, vector<16xf32>
      %select_n3A_900 = arith.select %lt3A_897, %select_n3A_895, %scan3A_861 : vector<16xi1>, vector<16xi32>
      %select_n3A_901 = arith.select %lt3A_897, %scan3A_861, %select_n3A_895 : vector<16xi1>, vector<16xi32>
      %lt3A_902 = arith.cmpf olt, %select_n3A_898, %scan3A_856 : vector<16xf32>
      %select_n3A_903 = arith.select %lt3A_902, %select_n3A_898, %scan3A_856 : vector<16xi1>, vector<16xf32>
      %select_n3A_904 = arith.select %lt3A_902, %scan3A_856, %select_n3A_898 : vector<16xi1>, vector<16xf32>
      %select_n3A_905 = arith.select %lt3A_902, %select_n3A_900, %scan3A_860 : vector<16xi1>, vector<16xi32>
      %select_n3A_906 = arith.select %lt3A_902, %scan3A_860, %select_n3A_900 : vector<16xi1>, vector<16xi32>
      scf.yield %select_n3A_883, %select_n3A_884, %select_n3A_879, %select_n3A_874, %select_n3A_885, %select_n3A_886, %select_n3A_881, %select_n3A_876, %select_n3A_903, %select_n3A_904, %select_n3A_899, %select_n3A_894, %select_n3A_905, %select_n3A_906, %select_n3A_901, %select_n3A_896 : vector<16xf32>, vector<16xf32>, vector<16xf32>, vector<16xf32>, vector<16xi32>, vector<16xi32>, vector<16xi32>, vector<16xi32>, vector<16xf32>, vector<16xf32>, vector<16xf32>, vector<16xf32>, vector<16xi32>, vector<16xi32>, vector<16xi32>, vector<16xi32>
    }
    %scan3A_82 = arith.constant 128 : i32
    %dma_wait3A_83 = arith.constant 2048 : i32
    %dma_wait3A_84 = tpu.memref_slice %arg5[%dma_wait3A_83] : memref<8192xf32, #tpu.memory_space<vmem>> -> memref<6144xf32, #tpu.memory_space<vmem>>
    %dma_wait3A_85 = arith.constant 2048 : i32
    %dma_wait3A_86 = tpu.memref_slice %arg3[%mul3A_2, %dma_wait3A_85] : memref<64x8192xf32, #tpu.memory_space<hbm>> -> memref<1x6144xf32, #tpu.memory_space<hbm>>
    %dma_wait3A_87 = tpu.memref_squeeze %dma_wait3A_86 : memref<1x6144xf32, #tpu.memory_space<hbm>> -> memref<6144xf32, #tpu.memory_space<hbm>>
    %dma_wait3A_88 = arith.constant 2048 : i32
    %dma_wait3A_89 = tpu.memref_slice %arg5[%dma_wait3A_88] : memref<8192xf32, #tpu.memory_space<vmem>> -> memref<6144xf32, #tpu.memory_space<vmem>>
    %dma_wait3A_90 = arith.constant 2048 : i32
    %dma_wait3A_91 = tpu.memref_slice %arg3[%mul3A_2, %dma_wait3A_90] : memref<64x8192xf32, #tpu.memory_space<hbm>> -> memref<1x6144xf32, #tpu.memory_space<hbm>>
    %dma_wait3A_92 = tpu.memref_squeeze %dma_wait3A_91 : memref<1x6144xf32, #tpu.memory_space<hbm>> -> memref<6144xf32, #tpu.memory_space<hbm>>
    tpu.wait_dma2 semaphore(%arg12 : memref<!tpu.dma_semaphore, #tpu.memory_space<semaphore_mem>>) src(%dma_wait3A_92 : memref<6144xf32, #tpu.memory_space<hbm>>) dst(%dma_wait3A_89 : memref<6144xf32, #tpu.memory_space<vmem>>)
    %dma_wait3A_93 = arith.constant 2048 : i32
    %dma_wait3A_94 = tpu.memref_slice %arg6[%dma_wait3A_93] : memref<8192xf32, #tpu.memory_space<vmem>> -> memref<6144xf32, #tpu.memory_space<vmem>>
    %dma_wait3A_95 = arith.constant 2048 : i32
    %dma_wait3A_96 = tpu.memref_slice %arg3[%add3A_4, %dma_wait3A_95] : memref<64x8192xf32, #tpu.memory_space<hbm>> -> memref<1x6144xf32, #tpu.memory_space<hbm>>
    %dma_wait3A_97 = tpu.memref_squeeze %dma_wait3A_96 : memref<1x6144xf32, #tpu.memory_space<hbm>> -> memref<6144xf32, #tpu.memory_space<hbm>>
    %dma_wait3A_98 = arith.constant 2048 : i32
    %dma_wait3A_99 = tpu.memref_slice %arg6[%dma_wait3A_98] : memref<8192xf32, #tpu.memory_space<vmem>> -> memref<6144xf32, #tpu.memory_space<vmem>>
    %dma_wait3A_100 = arith.constant 2048 : i32
    %dma_wait3A_101 = tpu.memref_slice %arg3[%add3A_4, %dma_wait3A_100] : memref<64x8192xf32, #tpu.memory_space<hbm>> -> memref<1x6144xf32, #tpu.memory_space<hbm>>
    %dma_wait3A_102 = tpu.memref_squeeze %dma_wait3A_101 : memref<1x6144xf32, #tpu.memory_space<hbm>> -> memref<6144xf32, #tpu.memory_space<hbm>>
    tpu.wait_dma2 semaphore(%arg13 : memref<!tpu.dma_semaphore, #tpu.memory_space<semaphore_mem>>) src(%dma_wait3A_102 : memref<6144xf32, #tpu.memory_space<hbm>>) dst(%dma_wait3A_99 : memref<6144xf32, #tpu.memory_space<vmem>>)
    %scan3A_103 = arith.constant 128 : i32
    %scan3A_104 = arith.constant 384 : i32
    %scan3A_105 = arith.addi %scan3A_103, %scan3A_104 : i32
    %scan3A_106 = arith.constant 1 : i32
    %scan3A_107:16 = scf.for %scan3A_847 = %scan3A_103 to %scan3A_105 step %scan3A_106 iter_args(%scan3A_848 = %scan3A_81#0, %scan3A_849 = %scan3A_81#1, %scan3A_850 = %scan3A_81#2, %scan3A_851 = %scan3A_81#3, %scan3A_852 = %scan3A_81#4, %scan3A_853 = %scan3A_81#5, %scan3A_854 = %scan3A_81#6, %scan3A_855 = %scan3A_81#7, %scan3A_856 = %scan3A_81#8, %scan3A_857 = %scan3A_81#9, %scan3A_858 = %scan3A_81#10, %scan3A_859 = %scan3A_81#11, %scan3A_860 = %scan3A_81#12, %scan3A_861 = %scan3A_81#13, %scan3A_862 = %scan3A_81#14, %scan3A_863 = %scan3A_81#15) -> (vector<16xf32>, vector<16xf32>, vector<16xf32>, vector<16xf32>, vector<16xi32>, vector<16xi32>, vector<16xi32>, vector<16xi32>, vector<16xf32>, vector<16xf32>, vector<16xf32>, vector<16xf32>, vector<16xi32>, vector<16xi32>, vector<16xi32>, vector<16xi32>)  : i32 {
      %mul3A_864 = arith.constant 16 : i32
      %mul3A_865 = arith.muli %scan3A_847, %mul3A_864 : i32
      %add3A_866 = vector.broadcast %mul3A_865 : i32 to vector<16xi32>
      %add3A_867 = arith.addi %add3A_866, %iota3A : vector<16xi32>
      %get3A = arith.index_cast %mul3A_865 : i32 to index
      %get3A_868 = tpu.vector_load %arg5[%get3A] {strides = array<i32>} : memref<8192xf32, #tpu.memory_space<vmem>>, vector<16xf32>,
      %lt3A_869 = arith.cmpf olt, %get3A_868, %scan3A_851 : vector<16xf32>
      %select_n3A_870 = arith.select %lt3A_869, %get3A_868, %scan3A_851 : vector<16xi1>, vector<16xf32>
      %select_n3A_871 = arith.select %lt3A_869, %add3A_867, %scan3A_855 : vector<16xi1>, vector<16xi32>
      %lt3A_872 = arith.cmpf olt, %select_n3A_870, %scan3A_850 : vector<16xf32>
      %select_n3A_873 = arith.select %lt3A_872, %select_n3A_870, %scan3A_850 : vector<16xi1>, vector<16xf32>
      %select_n3A_874 = arith.select %lt3A_872, %scan3A_850, %select_n3A_870 : vector<16xi1>, vector<16xf32>
      %select_n3A_875 = arith.select %lt3A_872, %select_n3A_871, %scan3A_854 : vector<16xi1>, vector<16xi32>
      %select_n3A_876 = arith.select %lt3A_872, %scan3A_854, %select_n3A_871 : vector<16xi1>, vector<16xi32>
      %lt3A_877 = arith.cmpf olt, %select_n3A_873, %scan3A_849 : vector<16xf32>
      %select_n3A_878 = arith.select %lt3A_877, %select_n3A_873, %scan3A_849 : vector<16xi1>, vector<16xf32>
      %select_n3A_879 = arith.select %lt3A_877, %scan3A_849, %select_n3A_873 : vector<16xi1>, vector<16xf32>
      %select_n3A_880 = arith.select %lt3A_877, %select_n3A_875, %scan3A_853 : vector<16xi1>, vector<16xi32>
      %select_n3A_881 = arith.select %lt3A_877, %scan3A_853, %select_n3A_875 : vector<16xi1>, vector<16xi32>
      %lt3A_882 = arith.cmpf olt, %select_n3A_878, %scan3A_848 : vector<16xf32>
      %select_n3A_883 = arith.select %lt3A_882, %select_n3A_878, %scan3A_848 : vector<16xi1>, vector<16xf32>
      %select_n3A_884 = arith.select %lt3A_882, %scan3A_848, %select_n3A_878 : vector<16xi1>, vector<16xf32>
      %select_n3A_885 = arith.select %lt3A_882, %select_n3A_880, %scan3A_852 : vector<16xi1>, vector<16xi32>
      %select_n3A_886 = arith.select %lt3A_882, %scan3A_852, %select_n3A_880 : vector<16xi1>, vector<16xi32>
      %get3A_887 = arith.index_cast %mul3A_865 : i32 to index
      %get3A_888 = tpu.vector_load %arg6[%get3A_887] {strides = array<i32>} : memref<8192xf32, #tpu.memory_space<vmem>>, vector<16xf32>,
      %lt3A_889 = arith.cmpf olt, %get3A_888, %scan3A_859 : vector<16xf32>
      %select_n3A_890 = arith.select %lt3A_889, %get3A_888, %scan3A_859 : vector<16xi1>, vector<16xf32>
      %select_n3A_891 = arith.select %lt3A_889, %add3A_867, %scan3A_863 : vector<16xi1>, vector<16xi32>
      %lt3A_892 = arith.cmpf olt, %select_n3A_890, %scan3A_858 : vector<16xf32>
      %select_n3A_893 = arith.select %lt3A_892, %select_n3A_890, %scan3A_858 : vector<16xi1>, vector<16xf32>
      %select_n3A_894 = arith.select %lt3A_892, %scan3A_858, %select_n3A_890 : vector<16xi1>, vector<16xf32>
      %select_n3A_895 = arith.select %lt3A_892, %select_n3A_891, %scan3A_862 : vector<16xi1>, vector<16xi32>
      %select_n3A_896 = arith.select %lt3A_892, %scan3A_862, %select_n3A_891 : vector<16xi1>, vector<16xi32>
      %lt3A_897 = arith.cmpf olt, %select_n3A_893, %scan3A_857 : vector<16xf32>
      %select_n3A_898 = arith.select %lt3A_897, %select_n3A_893, %scan3A_857 : vector<16xi1>, vector<16xf32>
      %select_n3A_899 = arith.select %lt3A_897, %scan3A_857, %select_n3A_893 : vector<16xi1>, vector<16xf32>
      %select_n3A_900 = arith.select %lt3A_897, %select_n3A_895, %scan3A_861 : vector<16xi1>, vector<16xi32>
      %select_n3A_901 = arith.select %lt3A_897, %scan3A_861, %select_n3A_895 : vector<16xi1>, vector<16xi32>
      %lt3A_902 = arith.cmpf olt, %select_n3A_898, %scan3A_856 : vector<16xf32>
      %select_n3A_903 = arith.select %lt3A_902, %select_n3A_898, %scan3A_856 : vector<16xi1>, vector<16xf32>
      %select_n3A_904 = arith.select %lt3A_902, %scan3A_856, %select_n3A_898 : vector<16xi1>, vector<16xf32>
      %select_n3A_905 = arith.select %lt3A_902, %select_n3A_900, %scan3A_860 : vector<16xi1>, vector<16xi32>
      %select_n3A_906 = arith.select %lt3A_902, %scan3A_860, %select_n3A_900 : vector<16xi1>, vector<16xi32>
      scf.yield %select_n3A_883, %select_n3A_884, %select_n3A_879, %select_n3A_874, %select_n3A_885, %select_n3A_886, %select_n3A_881, %select_n3A_876, %select_n3A_903, %select_n3A_904, %select_n3A_899, %select_n3A_894, %select_n3A_905, %select_n3A_906, %select_n3A_901, %select_n3A_896 : vector<16xf32>, vector<16xf32>, vector<16xf32>, vector<16xf32>, vector<16xi32>, vector<16xi32>, vector<16xi32>, vector<16xi32>, vector<16xf32>, vector<16xf32>, vector<16xf32>, vector<16xf32>, vector<16xi32>, vector<16xi32>, vector<16xi32>, vector<16xi32>
    }
    %scan3A_108 = arith.constant 384 : i32
    %dma_wait3A_109 = arith.constant 0 : i32
    %dma_wait3A_110 = tpu.memref_slice %arg2[%mul3A_2, %dma_wait3A_109] : memref<64x8192xf32, #tpu.memory_space<hbm>> -> memref<1x8192xf32, #tpu.memory_space<hbm>>
    %dma_wait3A_111 = tpu.memref_squeeze %dma_wait3A_110 : memref<1x8192xf32, #tpu.memory_space<hbm>> -> memref<8192xf32, #tpu.memory_space<hbm>>
    %dma_wait3A_112 = arith.constant 0 : i32
    %dma_wait3A_113 = tpu.memref_slice %arg2[%mul3A_2, %dma_wait3A_112] : memref<64x8192xf32, #tpu.memory_space<hbm>> -> memref<1x8192xf32, #tpu.memory_space<hbm>>
    %dma_wait3A_114 = tpu.memref_squeeze %dma_wait3A_113 : memref<1x8192xf32, #tpu.memory_space<hbm>> -> memref<8192xf32, #tpu.memory_space<hbm>>
    tpu.wait_dma2 semaphore(%arg10 : memref<!tpu.dma_semaphore, #tpu.memory_space<semaphore_mem>>) src(%dma_wait3A_114 : memref<8192xf32, #tpu.memory_space<hbm>>) dst(%arg7 : memref<8192xf32, #tpu.memory_space<vmem>>)
    %dma_wait3A_115 = arith.constant 0 : i32
    %dma_wait3A_116 = tpu.memref_slice %arg2[%add3A_4, %dma_wait3A_115] : memref<64x8192xf32, #tpu.memory_space<hbm>> -> memref<1x8192xf32, #tpu.memory_space<hbm>>
    %dma_wait3A_117 = tpu.memref_squeeze %dma_wait3A_116 : memref<1x8192xf32, #tpu.memory_space<hbm>> -> memref<8192xf32, #tpu.memory_space<hbm>>
    %dma_wait3A_118 = arith.constant 0 : i32
    %dma_wait3A_119 = tpu.memref_slice %arg2[%add3A_4, %dma_wait3A_118] : memref<64x8192xf32, #tpu.memory_space<hbm>> -> memref<1x8192xf32, #tpu.memory_space<hbm>>
    %dma_wait3A_120 = tpu.memref_squeeze %dma_wait3A_119 : memref<1x8192xf32, #tpu.memory_space<hbm>> -> memref<8192xf32, #tpu.memory_space<hbm>>
    tpu.wait_dma2 semaphore(%arg11 : memref<!tpu.dma_semaphore, #tpu.memory_space<semaphore_mem>>) src(%dma_wait3A_120 : memref<8192xf32, #tpu.memory_space<hbm>>) dst(%arg8 : memref<8192xf32, #tpu.memory_space<vmem>>)
    %iota3A_121 = tpu.iota {dimensions = array<i32: 0>} : vector<16xi32>
    %broadcast_in_dim3A_122 = arith.constant 0 : i32
    %broadcast_in_dim3A_123 = vector.broadcast %broadcast_in_dim3A_122 : i32 to vector<16xi32>
    %iota3A_124 = tpu.iota {dimensions = array<i32: 0>} : vector<16xi32>
    %xor3A = arith.constant 8 : i32
    %xor3A_125 = vector.broadcast %xor3A : i32 to vector<16xi32>
    %xor3A_126 = arith.xori %iota3A_124, %xor3A_125 : vector<16xi32>
    %broadcast_in_dim3A_127 = vector.shape_cast %xor3A_126 : vector<16xi32> to vector<16x1xi32>
    %gather3A = vector.shape_cast %broadcast_in_dim3A_127 : vector<16x1xi32> to vector<16xi32>
    %gather3A_128 = tpu.dynamic_gather %scan3A_107#0[%gather3A] in [0] : vector<16xf32>, vector<16xi32> -> vector<16xf32>
    %min3A = arith.minimumf %scan3A_107#0, %gather3A_128 : vector<16xf32>
    %xor3A_129 = arith.constant 4 : i32
    %xor3A_130 = vector.broadcast %xor3A_129 : i32 to vector<16xi32>
    %xor3A_131 = arith.xori %iota3A_124, %xor3A_130 : vector<16xi32>
    %broadcast_in_dim3A_132 = vector.shape_cast %xor3A_131 : vector<16xi32> to vector<16x1xi32>
    %gather3A_133 = vector.shape_cast %broadcast_in_dim3A_132 : vector<16x1xi32> to vector<16xi32>
    %gather3A_134 = tpu.dynamic_gather %min3A[%gather3A_133] in [0] : vector<16xf32>, vector<16xi32> -> vector<16xf32>
    %min3A_135 = arith.minimumf %min3A, %gather3A_134 : vector<16xf32>
    %xor3A_136 = arith.constant 2 : i32
    %xor3A_137 = vector.broadcast %xor3A_136 : i32 to vector<16xi32>
    %xor3A_138 = arith.xori %iota3A_124, %xor3A_137 : vector<16xi32>
    %broadcast_in_dim3A_139 = vector.shape_cast %xor3A_138 : vector<16xi32> to vector<16x1xi32>
    %gather3A_140 = vector.shape_cast %broadcast_in_dim3A_139 : vector<16x1xi32> to vector<16xi32>
    %gather3A_141 = tpu.dynamic_gather %min3A_135[%gather3A_140] in [0] : vector<16xf32>, vector<16xi32> -> vector<16xf32>
    %min3A_142 = arith.minimumf %min3A_135, %gather3A_141 : vector<16xf32>
    %xor3A_143 = arith.constant 1 : i32
    %xor3A_144 = vector.broadcast %xor3A_143 : i32 to vector<16xi32>
    %xor3A_145 = arith.xori %iota3A_124, %xor3A_144 : vector<16xi32>
    %broadcast_in_dim3A_146 = vector.shape_cast %xor3A_145 : vector<16xi32> to vector<16x1xi32>
    %gather3A_147 = vector.shape_cast %broadcast_in_dim3A_146 : vector<16x1xi32> to vector<16xi32>
    %gather3A_148 = tpu.dynamic_gather %min3A_142[%gather3A_147] in [0] : vector<16xf32>, vector<16xi32> -> vector<16xf32>
    %min3A_149 = arith.minimumf %min3A_142, %gather3A_148 : vector<16xf32>
    %eq3A = arith.cmpf oeq, %scan3A_107#0, %min3A_149 : vector<16xf32>
    %jit3A = arith.constant 8192 : i32
    %broadcast_in_dim3A_150 = vector.broadcast %jit3A : i32 to vector<16xi32>
    %select_n3A = arith.select %eq3A, %scan3A_107#4, %broadcast_in_dim3A_150 : vector<16xi1>, vector<16xi32>
    %iota3A_151 = tpu.iota {dimensions = array<i32: 0>} : vector<16xi32>
    %xor3A_152 = arith.constant 8 : i32
    %xor3A_153 = vector.broadcast %xor3A_152 : i32 to vector<16xi32>
    %xor3A_154 = arith.xori %iota3A_151, %xor3A_153 : vector<16xi32>
    %broadcast_in_dim3A_155 = vector.shape_cast %xor3A_154 : vector<16xi32> to vector<16x1xi32>
    %gather3A_156 = vector.shape_cast %broadcast_in_dim3A_155 : vector<16x1xi32> to vector<16xi32>
    %gather3A_157 = tpu.dynamic_gather %select_n3A[%gather3A_156] in [0] : vector<16xi32>, vector<16xi32> -> vector<16xi32>
    %min3A_158 = arith.minsi %select_n3A, %gather3A_157 : vector<16xi32>
    %xor3A_159 = arith.constant 4 : i32
    %xor3A_160 = vector.broadcast %xor3A_159 : i32 to vector<16xi32>
    %xor3A_161 = arith.xori %iota3A_151, %xor3A_160 : vector<16xi32>
    %broadcast_in_dim3A_162 = vector.shape_cast %xor3A_161 : vector<16xi32> to vector<16x1xi32>
    %gather3A_163 = vector.shape_cast %broadcast_in_dim3A_162 : vector<16x1xi32> to vector<16xi32>
    %gather3A_164 = tpu.dynamic_gather %min3A_158[%gather3A_163] in [0] : vector<16xi32>, vector<16xi32> -> vector<16xi32>
    %min3A_165 = arith.minsi %min3A_158, %gather3A_164 : vector<16xi32>
    %xor3A_166 = arith.constant 2 : i32
    %xor3A_167 = vector.broadcast %xor3A_166 : i32 to vector<16xi32>
    %xor3A_168 = arith.xori %iota3A_151, %xor3A_167 : vector<16xi32>
    %broadcast_in_dim3A_169 = vector.shape_cast %xor3A_168 : vector<16xi32> to vector<16x1xi32>
    %gather3A_170 = vector.shape_cast %broadcast_in_dim3A_169 : vector<16x1xi32> to vector<16xi32>
    %gather3A_171 = tpu.dynamic_gather %min3A_165[%gather3A_170] in [0] : vector<16xi32>, vector<16xi32> -> vector<16xi32>
    %min3A_172 = arith.minsi %min3A_165, %gather3A_171 : vector<16xi32>
    %xor3A_173 = arith.constant 1 : i32
    %xor3A_174 = vector.broadcast %xor3A_173 : i32 to vector<16xi32>
    %xor3A_175 = arith.xori %iota3A_151, %xor3A_174 : vector<16xi32>
    %broadcast_in_dim3A_176 = vector.shape_cast %xor3A_175 : vector<16xi32> to vector<16x1xi32>
    %gather3A_177 = vector.shape_cast %broadcast_in_dim3A_176 : vector<16x1xi32> to vector<16xi32>
    %gather3A_178 = tpu.dynamic_gather %min3A_172[%gather3A_177] in [0] : vector<16xi32>, vector<16xi32> -> vector<16xi32>
    %min3A_179 = arith.minsi %min3A_172, %gather3A_178 : vector<16xi32>
    %eq3A_180 = arith.constant 0 : i32
    %eq3A_181 = vector.broadcast %eq3A_180 : i32 to vector<16xi32>
    %eq3A_182 = arith.cmpi eq, %iota3A_121, %eq3A_181 : vector<16xi32>
    %select_n3A_183 = arith.select %eq3A_182, %min3A_179, %broadcast_in_dim3A_123 : vector<16xi1>, vector<16xi32>
    %eq3A_184 = arith.cmpf oeq, %scan3A_107#0, %min3A_149 : vector<16xf32>
    %eq3A_185 = arith.cmpi eq, %scan3A_107#4, %min3A_179 : vector<16xi32>
    %and3A = arith.andi %eq3A_184, %eq3A_185 : vector<16xi1>
    %select_n3A_186 = arith.select %and3A, %scan3A_107#1, %scan3A_107#0 : vector<16xi1>, vector<16xf32>
    %select_n3A_187 = arith.select %and3A, %scan3A_107#5, %scan3A_107#4 : vector<16xi1>, vector<16xi32>
    %select_n3A_188 = arith.select %and3A, %scan3A_107#2, %scan3A_107#1 : vector<16xi1>, vector<16xf32>
    %select_n3A_189 = arith.select %and3A, %scan3A_107#6, %scan3A_107#5 : vector<16xi1>, vector<16xi32>
    %select_n3A_190 = arith.select %and3A, %scan3A_107#3, %scan3A_107#2 : vector<16xi1>, vector<16xf32>
    %select_n3A_191 = arith.select %and3A, %scan3A_107#7, %scan3A_107#6 : vector<16xi1>, vector<16xi32>
    %jit3A_192 = arith.constant 0x7F800000 : f32
    %broadcast_in_dim3A_193 = vector.broadcast %jit3A_192 : f32 to vector<16xf32>
    %select_n3A_194 = arith.select %and3A, %broadcast_in_dim3A_193, %scan3A_107#3 : vector<16xi1>, vector<16xf32>
    %jit3A_195 = arith.constant 8192 : i32
    %broadcast_in_dim3A_196 = vector.broadcast %jit3A_195 : i32 to vector<16xi32>
    %select_n3A_197 = arith.select %and3A, %broadcast_in_dim3A_196, %scan3A_107#7 : vector<16xi1>, vector<16xi32>
    %iota3A_198 = tpu.iota {dimensions = array<i32: 0>} : vector<16xi32>
    %xor3A_199 = arith.constant 8 : i32
    %xor3A_200 = vector.broadcast %xor3A_199 : i32 to vector<16xi32>
    %xor3A_201 = arith.xori %iota3A_198, %xor3A_200 : vector<16xi32>
    %broadcast_in_dim3A_202 = vector.shape_cast %xor3A_201 : vector<16xi32> to vector<16x1xi32>
    %gather3A_203 = vector.shape_cast %broadcast_in_dim3A_202 : vector<16x1xi32> to vector<16xi32>
    %gather3A_204 = tpu.dynamic_gather %select_n3A_186[%gather3A_203] in [0] : vector<16xf32>, vector<16xi32> -> vector<16xf32>
    %min3A_205 = arith.minimumf %select_n3A_186, %gather3A_204 : vector<16xf32>
    %xor3A_206 = arith.constant 4 : i32
    %xor3A_207 = vector.broadcast %xor3A_206 : i32 to vector<16xi32>
    %xor3A_208 = arith.xori %iota3A_198, %xor3A_207 : vector<16xi32>
    %broadcast_in_dim3A_209 = vector.shape_cast %xor3A_208 : vector<16xi32> to vector<16x1xi32>
    %gather3A_210 = vector.shape_cast %broadcast_in_dim3A_209 : vector<16x1xi32> to vector<16xi32>
    %gather3A_211 = tpu.dynamic_gather %min3A_205[%gather3A_210] in [0] : vector<16xf32>, vector<16xi32> -> vector<16xf32>
    %min3A_212 = arith.minimumf %min3A_205, %gather3A_211 : vector<16xf32>
    %xor3A_213 = arith.constant 2 : i32
    %xor3A_214 = vector.broadcast %xor3A_213 : i32 to vector<16xi32>
    %xor3A_215 = arith.xori %iota3A_198, %xor3A_214 : vector<16xi32>
    %broadcast_in_dim3A_216 = vector.shape_cast %xor3A_215 : vector<16xi32> to vector<16x1xi32>
    %gather3A_217 = vector.shape_cast %broadcast_in_dim3A_216 : vector<16x1xi32> to vector<16xi32>
    %gather3A_218 = tpu.dynamic_gather %min3A_212[%gather3A_217] in [0] : vector<16xf32>, vector<16xi32> -> vector<16xf32>
    %min3A_219 = arith.minimumf %min3A_212, %gather3A_218 : vector<16xf32>
    %xor3A_220 = arith.constant 1 : i32
    %xor3A_221 = vector.broadcast %xor3A_220 : i32 to vector<16xi32>
    %xor3A_222 = arith.xori %iota3A_198, %xor3A_221 : vector<16xi32>
    %broadcast_in_dim3A_223 = vector.shape_cast %xor3A_222 : vector<16xi32> to vector<16x1xi32>
    %gather3A_224 = vector.shape_cast %broadcast_in_dim3A_223 : vector<16x1xi32> to vector<16xi32>
    %gather3A_225 = tpu.dynamic_gather %min3A_219[%gather3A_224] in [0] : vector<16xf32>, vector<16xi32> -> vector<16xf32>
    %min3A_226 = arith.minimumf %min3A_219, %gather3A_225 : vector<16xf32>
    %eq3A_227 = arith.cmpf oeq, %select_n3A_186, %min3A_226 : vector<16xf32>
    %jit3A_228 = arith.constant 8192 : i32
    %broadcast_in_dim3A_229 = vector.broadcast %jit3A_228 : i32 to vector<16xi32>
    %select_n3A_230 = arith.select %eq3A_227, %select_n3A_187, %broadcast_in_dim3A_229 : vector<16xi1>, vector<16xi32>
    %iota3A_231 = tpu.iota {dimensions = array<i32: 0>} : vector<16xi32>
    %xor3A_232 = arith.constant 8 : i32
    %xor3A_233 = vector.broadcast %xor3A_232 : i32 to vector<16xi32>
    %xor3A_234 = arith.xori %iota3A_231, %xor3A_233 : vector<16xi32>
    %broadcast_in_dim3A_235 = vector.shape_cast %xor3A_234 : vector<16xi32> to vector<16x1xi32>
    %gather3A_236 = vector.shape_cast %broadcast_in_dim3A_235 : vector<16x1xi32> to vector<16xi32>
    %gather3A_237 = tpu.dynamic_gather %select_n3A_230[%gather3A_236] in [0] : vector<16xi32>, vector<16xi32> -> vector<16xi32>
    %min3A_238 = arith.minsi %select_n3A_230, %gather3A_237 : vector<16xi32>
    %xor3A_239 = arith.constant 4 : i32
    %xor3A_240 = vector.broadcast %xor3A_239 : i32 to vector<16xi32>
    %xor3A_241 = arith.xori %iota3A_231, %xor3A_240 : vector<16xi32>
    %broadcast_in_dim3A_242 = vector.shape_cast %xor3A_241 : vector<16xi32> to vector<16x1xi32>
    %gather3A_243 = vector.shape_cast %broadcast_in_dim3A_242 : vector<16x1xi32> to vector<16xi32>
    %gather3A_244 = tpu.dynamic_gather %min3A_238[%gather3A_243] in [0] : vector<16xi32>, vector<16xi32> -> vector<16xi32>
    %min3A_245 = arith.minsi %min3A_238, %gather3A_244 : vector<16xi32>
    %xor3A_246 = arith.constant 2 : i32
    %xor3A_247 = vector.broadcast %xor3A_246 : i32 to vector<16xi32>
    %xor3A_248 = arith.xori %iota3A_231, %xor3A_247 : vector<16xi32>
    %broadcast_in_dim3A_249 = vector.shape_cast %xor3A_248 : vector<16xi32> to vector<16x1xi32>
    %gather3A_250 = vector.shape_cast %broadcast_in_dim3A_249 : vector<16x1xi32> to vector<16xi32>
    %gather3A_251 = tpu.dynamic_gather %min3A_245[%gather3A_250] in [0] : vector<16xi32>, vector<16xi32> -> vector<16xi32>
    %min3A_252 = arith.minsi %min3A_245, %gather3A_251 : vector<16xi32>
    %xor3A_253 = arith.constant 1 : i32
    %xor3A_254 = vector.broadcast %xor3A_253 : i32 to vector<16xi32>
    %xor3A_255 = arith.xori %iota3A_231, %xor3A_254 : vector<16xi32>
    %broadcast_in_dim3A_256 = vector.shape_cast %xor3A_255 : vector<16xi32> to vector<16x1xi32>
    %gather3A_257 = vector.shape_cast %broadcast_in_dim3A_256 : vector<16x1xi32> to vector<16xi32>
    %gather3A_258 = tpu.dynamic_gather %min3A_252[%gather3A_257] in [0] : vector<16xi32>, vector<16xi32> -> vector<16xi32>
    %min3A_259 = arith.minsi %min3A_252, %gather3A_258 : vector<16xi32>
    %eq3A_260 = arith.constant 1 : i32
    %eq3A_261 = vector.broadcast %eq3A_260 : i32 to vector<16xi32>
    %eq3A_262 = arith.cmpi eq, %iota3A_121, %eq3A_261 : vector<16xi32>
    %select_n3A_263 = arith.select %eq3A_262, %min3A_259, %select_n3A_183 : vector<16xi1>, vector<16xi32>
    %eq3A_264 = arith.cmpf oeq, %select_n3A_186, %min3A_226 : vector<16xf32>
    %eq3A_265 = arith.cmpi eq, %select_n3A_187, %min3A_259 : vector<16xi32>
    %and3A_266 = arith.andi %eq3A_264, %eq3A_265 : vector<16xi1>
    %select_n3A_267 = arith.select %and3A_266, %select_n3A_188, %select_n3A_186 : vector<16xi1>, vector<16xf32>
    %select_n3A_268 = arith.select %and3A_266, %select_n3A_189, %select_n3A_187 : vector<16xi1>, vector<16xi32>
    %select_n3A_269 = arith.select %and3A_266, %select_n3A_190, %select_n3A_188 : vector<16xi1>, vector<16xf32>
    %select_n3A_270 = arith.select %and3A_266, %select_n3A_191, %select_n3A_189 : vector<16xi1>, vector<16xi32>
    %select_n3A_271 = arith.select %and3A_266, %select_n3A_194, %select_n3A_190 : vector<16xi1>, vector<16xf32>
    %select_n3A_272 = arith.select %and3A_266, %select_n3A_197, %select_n3A_191 : vector<16xi1>, vector<16xi32>
    %jit3A_273 = arith.constant 0x7F800000 : f32
    %broadcast_in_dim3A_274 = vector.broadcast %jit3A_273 : f32 to vector<16xf32>
    %select_n3A_275 = arith.select %and3A_266, %broadcast_in_dim3A_274, %select_n3A_194 : vector<16xi1>, vector<16xf32>
    %jit3A_276 = arith.constant 8192 : i32
    %broadcast_in_dim3A_277 = vector.broadcast %jit3A_276 : i32 to vector<16xi32>
    %select_n3A_278 = arith.select %and3A_266, %broadcast_in_dim3A_277, %select_n3A_197 : vector<16xi1>, vector<16xi32>
    %iota3A_279 = tpu.iota {dimensions = array<i32: 0>} : vector<16xi32>
    %xor3A_280 = arith.constant 8 : i32
    %xor3A_281 = vector.broadcast %xor3A_280 : i32 to vector<16xi32>
    %xor3A_282 = arith.xori %iota3A_279, %xor3A_281 : vector<16xi32>
    %broadcast_in_dim3A_283 = vector.shape_cast %xor3A_282 : vector<16xi32> to vector<16x1xi32>
    %gather3A_284 = vector.shape_cast %broadcast_in_dim3A_283 : vector<16x1xi32> to vector<16xi32>
    %gather3A_285 = tpu.dynamic_gather %select_n3A_267[%gather3A_284] in [0] : vector<16xf32>, vector<16xi32> -> vector<16xf32>
    %min3A_286 = arith.minimumf %select_n3A_267, %gather3A_285 : vector<16xf32>
    %xor3A_287 = arith.constant 4 : i32
    %xor3A_288 = vector.broadcast %xor3A_287 : i32 to vector<16xi32>
    %xor3A_289 = arith.xori %iota3A_279, %xor3A_288 : vector<16xi32>
    %broadcast_in_dim3A_290 = vector.shape_cast %xor3A_289 : vector<16xi32> to vector<16x1xi32>
    %gather3A_291 = vector.shape_cast %broadcast_in_dim3A_290 : vector<16x1xi32> to vector<16xi32>
    %gather3A_292 = tpu.dynamic_gather %min3A_286[%gather3A_291] in [0] : vector<16xf32>, vector<16xi32> -> vector<16xf32>
    %min3A_293 = arith.minimumf %min3A_286, %gather3A_292 : vector<16xf32>
    %xor3A_294 = arith.constant 2 : i32
    %xor3A_295 = vector.broadcast %xor3A_294 : i32 to vector<16xi32>
    %xor3A_296 = arith.xori %iota3A_279, %xor3A_295 : vector<16xi32>
    %broadcast_in_dim3A_297 = vector.shape_cast %xor3A_296 : vector<16xi32> to vector<16x1xi32>
    %gather3A_298 = vector.shape_cast %broadcast_in_dim3A_297 : vector<16x1xi32> to vector<16xi32>
    %gather3A_299 = tpu.dynamic_gather %min3A_293[%gather3A_298] in [0] : vector<16xf32>, vector<16xi32> -> vector<16xf32>
    %min3A_300 = arith.minimumf %min3A_293, %gather3A_299 : vector<16xf32>
    %xor3A_301 = arith.constant 1 : i32
    %xor3A_302 = vector.broadcast %xor3A_301 : i32 to vector<16xi32>
    %xor3A_303 = arith.xori %iota3A_279, %xor3A_302 : vector<16xi32>
    %broadcast_in_dim3A_304 = vector.shape_cast %xor3A_303 : vector<16xi32> to vector<16x1xi32>
    %gather3A_305 = vector.shape_cast %broadcast_in_dim3A_304 : vector<16x1xi32> to vector<16xi32>
    %gather3A_306 = tpu.dynamic_gather %min3A_300[%gather3A_305] in [0] : vector<16xf32>, vector<16xi32> -> vector<16xf32>
    %min3A_307 = arith.minimumf %min3A_300, %gather3A_306 : vector<16xf32>
    %eq3A_308 = arith.cmpf oeq, %select_n3A_267, %min3A_307 : vector<16xf32>
    %jit3A_309 = arith.constant 8192 : i32
    %broadcast_in_dim3A_310 = vector.broadcast %jit3A_309 : i32 to vector<16xi32>
    %select_n3A_311 = arith.select %eq3A_308, %select_n3A_268, %broadcast_in_dim3A_310 : vector<16xi1>, vector<16xi32>
    %iota3A_312 = tpu.iota {dimensions = array<i32: 0>} : vector<16xi32>
    %xor3A_313 = arith.constant 8 : i32
    %xor3A_314 = vector.broadcast %xor3A_313 : i32 to vector<16xi32>
    %xor3A_315 = arith.xori %iota3A_312, %xor3A_314 : vector<16xi32>
    %broadcast_in_dim3A_316 = vector.shape_cast %xor3A_315 : vector<16xi32> to vector<16x1xi32>
    %gather3A_317 = vector.shape_cast %broadcast_in_dim3A_316 : vector<16x1xi32> to vector<16xi32>
    %gather3A_318 = tpu.dynamic_gather %select_n3A_311[%gather3A_317] in [0] : vector<16xi32>, vector<16xi32> -> vector<16xi32>
    %min3A_319 = arith.minsi %select_n3A_311, %gather3A_318 : vector<16xi32>
    %xor3A_320 = arith.constant 4 : i32
    %xor3A_321 = vector.broadcast %xor3A_320 : i32 to vector<16xi32>
    %xor3A_322 = arith.xori %iota3A_312, %xor3A_321 : vector<16xi32>
    %broadcast_in_dim3A_323 = vector.shape_cast %xor3A_322 : vector<16xi32> to vector<16x1xi32>
    %gather3A_324 = vector.shape_cast %broadcast_in_dim3A_323 : vector<16x1xi32> to vector<16xi32>
    %gather3A_325 = tpu.dynamic_gather %min3A_319[%gather3A_324] in [0] : vector<16xi32>, vector<16xi32> -> vector<16xi32>
    %min3A_326 = arith.minsi %min3A_319, %gather3A_325 : vector<16xi32>
    %xor3A_327 = arith.constant 2 : i32
    %xor3A_328 = vector.broadcast %xor3A_327 : i32 to vector<16xi32>
    %xor3A_329 = arith.xori %iota3A_312, %xor3A_328 : vector<16xi32>
    %broadcast_in_dim3A_330 = vector.shape_cast %xor3A_329 : vector<16xi32> to vector<16x1xi32>
    %gather3A_331 = vector.shape_cast %broadcast_in_dim3A_330 : vector<16x1xi32> to vector<16xi32>
    %gather3A_332 = tpu.dynamic_gather %min3A_326[%gather3A_331] in [0] : vector<16xi32>, vector<16xi32> -> vector<16xi32>
    %min3A_333 = arith.minsi %min3A_326, %gather3A_332 : vector<16xi32>
    %xor3A_334 = arith.constant 1 : i32
    %xor3A_335 = vector.broadcast %xor3A_334 : i32 to vector<16xi32>
    %xor3A_336 = arith.xori %iota3A_312, %xor3A_335 : vector<16xi32>
    %broadcast_in_dim3A_337 = vector.shape_cast %xor3A_336 : vector<16xi32> to vector<16x1xi32>
    %gather3A_338 = vector.shape_cast %broadcast_in_dim3A_337 : vector<16x1xi32> to vector<16xi32>
    %gather3A_339 = tpu.dynamic_gather %min3A_333[%gather3A_338] in [0] : vector<16xi32>, vector<16xi32> -> vector<16xi32>
    %min3A_340 = arith.minsi %min3A_333, %gather3A_339 : vector<16xi32>
    %eq3A_341 = arith.constant 2 : i32
    %eq3A_342 = vector.broadcast %eq3A_341 : i32 to vector<16xi32>
    %eq3A_343 = arith.cmpi eq, %iota3A_121, %eq3A_342 : vector<16xi32>
    %select_n3A_344 = arith.select %eq3A_343, %min3A_340, %select_n3A_263 : vector<16xi1>, vector<16xi32>
    %eq3A_345 = arith.cmpf oeq, %select_n3A_267, %min3A_307 : vector<16xf32>
    %eq3A_346 = arith.cmpi eq, %select_n3A_268, %min3A_340 : vector<16xi32>
    %and3A_347 = arith.andi %eq3A_345, %eq3A_346 : vector<16xi1>
    %select_n3A_348 = arith.select %and3A_347, %select_n3A_269, %select_n3A_267 : vector<16xi1>, vector<16xf32>
    %select_n3A_349 = arith.select %and3A_347, %select_n3A_270, %select_n3A_268 : vector<16xi1>, vector<16xi32>
    %select_n3A_350 = arith.select %and3A_347, %select_n3A_271, %select_n3A_269 : vector<16xi1>, vector<16xf32>
    %select_n3A_351 = arith.select %and3A_347, %select_n3A_272, %select_n3A_270 : vector<16xi1>, vector<16xi32>
    %select_n3A_352 = arith.select %and3A_347, %select_n3A_275, %select_n3A_271 : vector<16xi1>, vector<16xf32>
    %select_n3A_353 = arith.select %and3A_347, %select_n3A_278, %select_n3A_272 : vector<16xi1>, vector<16xi32>
    %jit3A_354 = arith.constant 0x7F800000 : f32
    %broadcast_in_dim3A_355 = vector.broadcast %jit3A_354 : f32 to vector<16xf32>
    %select_n3A_356 = arith.select %and3A_347, %broadcast_in_dim3A_355, %select_n3A_275 : vector<16xi1>, vector<16xf32>
    %jit3A_357 = arith.constant 8192 : i32
    %broadcast_in_dim3A_358 = vector.broadcast %jit3A_357 : i32 to vector<16xi32>
    %select_n3A_359 = arith.select %and3A_347, %broadcast_in_dim3A_358, %select_n3A_278 : vector<16xi1>, vector<16xi32>
    %iota3A_360 = tpu.iota {dimensions = array<i32: 0>} : vector<16xi32>
    %xor3A_361 = arith.constant 8 : i32
    %xor3A_362 = vector.broadcast %xor3A_361 : i32 to vector<16xi32>
    %xor3A_363 = arith.xori %iota3A_360, %xor3A_362 : vector<16xi32>
    %broadcast_in_dim3A_364 = vector.shape_cast %xor3A_363 : vector<16xi32> to vector<16x1xi32>
    %gather3A_365 = vector.shape_cast %broadcast_in_dim3A_364 : vector<16x1xi32> to vector<16xi32>
    %gather3A_366 = tpu.dynamic_gather %select_n3A_348[%gather3A_365] in [0] : vector<16xf32>, vector<16xi32> -> vector<16xf32>
    %min3A_367 = arith.minimumf %select_n3A_348, %gather3A_366 : vector<16xf32>
    %xor3A_368 = arith.constant 4 : i32
    %xor3A_369 = vector.broadcast %xor3A_368 : i32 to vector<16xi32>
    %xor3A_370 = arith.xori %iota3A_360, %xor3A_369 : vector<16xi32>
    %broadcast_in_dim3A_371 = vector.shape_cast %xor3A_370 : vector<16xi32> to vector<16x1xi32>
    %gather3A_372 = vector.shape_cast %broadcast_in_dim3A_371 : vector<16x1xi32> to vector<16xi32>
    %gather3A_373 = tpu.dynamic_gather %min3A_367[%gather3A_372] in [0] : vector<16xf32>, vector<16xi32> -> vector<16xf32>
    %min3A_374 = arith.minimumf %min3A_367, %gather3A_373 : vector<16xf32>
    %xor3A_375 = arith.constant 2 : i32
    %xor3A_376 = vector.broadcast %xor3A_375 : i32 to vector<16xi32>
    %xor3A_377 = arith.xori %iota3A_360, %xor3A_376 : vector<16xi32>
    %broadcast_in_dim3A_378 = vector.shape_cast %xor3A_377 : vector<16xi32> to vector<16x1xi32>
    %gather3A_379 = vector.shape_cast %broadcast_in_dim3A_378 : vector<16x1xi32> to vector<16xi32>
    %gather3A_380 = tpu.dynamic_gather %min3A_374[%gather3A_379] in [0] : vector<16xf32>, vector<16xi32> -> vector<16xf32>
    %min3A_381 = arith.minimumf %min3A_374, %gather3A_380 : vector<16xf32>
    %xor3A_382 = arith.constant 1 : i32
    %xor3A_383 = vector.broadcast %xor3A_382 : i32 to vector<16xi32>
    %xor3A_384 = arith.xori %iota3A_360, %xor3A_383 : vector<16xi32>
    %broadcast_in_dim3A_385 = vector.shape_cast %xor3A_384 : vector<16xi32> to vector<16x1xi32>
    %gather3A_386 = vector.shape_cast %broadcast_in_dim3A_385 : vector<16x1xi32> to vector<16xi32>
    %gather3A_387 = tpu.dynamic_gather %min3A_381[%gather3A_386] in [0] : vector<16xf32>, vector<16xi32> -> vector<16xf32>
    %min3A_388 = arith.minimumf %min3A_381, %gather3A_387 : vector<16xf32>
    %eq3A_389 = arith.cmpf oeq, %select_n3A_348, %min3A_388 : vector<16xf32>
    %jit3A_390 = arith.constant 8192 : i32
    %broadcast_in_dim3A_391 = vector.broadcast %jit3A_390 : i32 to vector<16xi32>
    %select_n3A_392 = arith.select %eq3A_389, %select_n3A_349, %broadcast_in_dim3A_391 : vector<16xi1>, vector<16xi32>
    %iota3A_393 = tpu.iota {dimensions = array<i32: 0>} : vector<16xi32>
    %xor3A_394 = arith.constant 8 : i32
    %xor3A_395 = vector.broadcast %xor3A_394 : i32 to vector<16xi32>
    %xor3A_396 = arith.xori %iota3A_393, %xor3A_395 : vector<16xi32>
    %broadcast_in_dim3A_397 = vector.shape_cast %xor3A_396 : vector<16xi32> to vector<16x1xi32>
    %gather3A_398 = vector.shape_cast %broadcast_in_dim3A_397 : vector<16x1xi32> to vector<16xi32>
    %gather3A_399 = tpu.dynamic_gather %select_n3A_392[%gather3A_398] in [0] : vector<16xi32>, vector<16xi32> -> vector<16xi32>
    %min3A_400 = arith.minsi %select_n3A_392, %gather3A_399 : vector<16xi32>
    %xor3A_401 = arith.constant 4 : i32
    %xor3A_402 = vector.broadcast %xor3A_401 : i32 to vector<16xi32>
    %xor3A_403 = arith.xori %iota3A_393, %xor3A_402 : vector<16xi32>
    %broadcast_in_dim3A_404 = vector.shape_cast %xor3A_403 : vector<16xi32> to vector<16x1xi32>
    %gather3A_405 = vector.shape_cast %broadcast_in_dim3A_404 : vector<16x1xi32> to vector<16xi32>
    %gather3A_406 = tpu.dynamic_gather %min3A_400[%gather3A_405] in [0] : vector<16xi32>, vector<16xi32> -> vector<16xi32>
    %min3A_407 = arith.minsi %min3A_400, %gather3A_406 : vector<16xi32>
    %xor3A_408 = arith.constant 2 : i32
    %xor3A_409 = vector.broadcast %xor3A_408 : i32 to vector<16xi32>
    %xor3A_410 = arith.xori %iota3A_393, %xor3A_409 : vector<16xi32>
    %broadcast_in_dim3A_411 = vector.shape_cast %xor3A_410 : vector<16xi32> to vector<16x1xi32>
    %gather3A_412 = vector.shape_cast %broadcast_in_dim3A_411 : vector<16x1xi32> to vector<16xi32>
    %gather3A_413 = tpu.dynamic_gather %min3A_407[%gather3A_412] in [0] : vector<16xi32>, vector<16xi32> -> vector<16xi32>
    %min3A_414 = arith.minsi %min3A_407, %gather3A_413 : vector<16xi32>
    %xor3A_415 = arith.constant 1 : i32
    %xor3A_416 = vector.broadcast %xor3A_415 : i32 to vector<16xi32>
    %xor3A_417 = arith.xori %iota3A_393, %xor3A_416 : vector<16xi32>
    %broadcast_in_dim3A_418 = vector.shape_cast %xor3A_417 : vector<16xi32> to vector<16x1xi32>
    %gather3A_419 = vector.shape_cast %broadcast_in_dim3A_418 : vector<16x1xi32> to vector<16xi32>
    %gather3A_420 = tpu.dynamic_gather %min3A_414[%gather3A_419] in [0] : vector<16xi32>, vector<16xi32> -> vector<16xi32>
    %min3A_421 = arith.minsi %min3A_414, %gather3A_420 : vector<16xi32>
    %eq3A_422 = arith.constant 3 : i32
    %eq3A_423 = vector.broadcast %eq3A_422 : i32 to vector<16xi32>
    %eq3A_424 = arith.cmpi eq, %iota3A_121, %eq3A_423 : vector<16xi32>
    %select_n3A_425 = arith.select %eq3A_424, %min3A_421, %select_n3A_344 : vector<16xi1>, vector<16xi32>
    %eq3A_426 = arith.cmpf oeq, %select_n3A_348, %min3A_388 : vector<16xf32>
    %eq3A_427 = arith.cmpi eq, %select_n3A_349, %min3A_421 : vector<16xi32>
    %and3A_428 = arith.andi %eq3A_426, %eq3A_427 : vector<16xi1>
    %select_n3A_429 = arith.select %and3A_428, %select_n3A_350, %select_n3A_348 : vector<16xi1>, vector<16xf32>
    %select_n3A_430 = arith.select %and3A_428, %select_n3A_351, %select_n3A_349 : vector<16xi1>, vector<16xi32>
    %select_n3A_431 = arith.select %and3A_428, %select_n3A_352, %select_n3A_350 : vector<16xi1>, vector<16xf32>
    %select_n3A_432 = arith.select %and3A_428, %select_n3A_353, %select_n3A_351 : vector<16xi1>, vector<16xi32>
    %select_n3A_433 = arith.select %and3A_428, %select_n3A_356, %select_n3A_352 : vector<16xi1>, vector<16xf32>
    %select_n3A_434 = arith.select %and3A_428, %select_n3A_359, %select_n3A_353 : vector<16xi1>, vector<16xi32>
    %jit3A_435 = arith.constant 0x7F800000 : f32
    %broadcast_in_dim3A_436 = vector.broadcast %jit3A_435 : f32 to vector<16xf32>
    %select_n3A_437 = arith.select %and3A_428, %broadcast_in_dim3A_436, %select_n3A_356 : vector<16xi1>, vector<16xf32>
    %jit3A_438 = arith.constant 8192 : i32
    %broadcast_in_dim3A_439 = vector.broadcast %jit3A_438 : i32 to vector<16xi32>
    %select_n3A_440 = arith.select %and3A_428, %broadcast_in_dim3A_439, %select_n3A_359 : vector<16xi1>, vector<16xi32>
    %gather3A_441 = tpu.vector_load_idx %arg7[%select_n3A_425] : memref<8192xf32, #tpu.memory_space<vmem>>[vector<16xi32>], vector<16xf32>,
    %lt3A = arith.constant 4 : i32
    %lt3A_442 = vector.broadcast %lt3A : i32 to vector<16xi32>
    %lt3A_443 = arith.cmpi slt, %iota3A_121, %lt3A_442 : vector<16xi32>
    %jit3A_444 = arith.constant 0.000000e+00 : f32
    %broadcast_in_dim3A_445 = vector.broadcast %jit3A_444 : f32 to vector<16xf32>
    %select_n3A_446 = arith.select %lt3A_443, %gather3A_441, %broadcast_in_dim3A_445 : vector<16xi1>, vector<16xf32>
    %iota3A_447 = tpu.iota {dimensions = array<i32: 0>} : vector<16xi32>
    %xor3A_448 = arith.constant 8 : i32
    %xor3A_449 = vector.broadcast %xor3A_448 : i32 to vector<16xi32>
    %xor3A_450 = arith.xori %iota3A_447, %xor3A_449 : vector<16xi32>
    %broadcast_in_dim3A_451 = vector.shape_cast %xor3A_450 : vector<16xi32> to vector<16x1xi32>
    %gather3A_452 = vector.shape_cast %broadcast_in_dim3A_451 : vector<16x1xi32> to vector<16xi32>
    %gather3A_453 = tpu.dynamic_gather %select_n3A_446[%gather3A_452] in [0] : vector<16xf32>, vector<16xi32> -> vector<16xf32>
    %add3A_454 = arith.addf %select_n3A_446, %gather3A_453 : vector<16xf32>
    %xor3A_455 = arith.constant 4 : i32
    %xor3A_456 = vector.broadcast %xor3A_455 : i32 to vector<16xi32>
    %xor3A_457 = arith.xori %iota3A_447, %xor3A_456 : vector<16xi32>
    %broadcast_in_dim3A_458 = vector.shape_cast %xor3A_457 : vector<16xi32> to vector<16x1xi32>
    %gather3A_459 = vector.shape_cast %broadcast_in_dim3A_458 : vector<16x1xi32> to vector<16xi32>
    %gather3A_460 = tpu.dynamic_gather %add3A_454[%gather3A_459] in [0] : vector<16xf32>, vector<16xi32> -> vector<16xf32>
    %add3A_461 = arith.addf %add3A_454, %gather3A_460 : vector<16xf32>
    %xor3A_462 = arith.constant 2 : i32
    %xor3A_463 = vector.broadcast %xor3A_462 : i32 to vector<16xi32>
    %xor3A_464 = arith.xori %iota3A_447, %xor3A_463 : vector<16xi32>
    %broadcast_in_dim3A_465 = vector.shape_cast %xor3A_464 : vector<16xi32> to vector<16x1xi32>
    %gather3A_466 = vector.shape_cast %broadcast_in_dim3A_465 : vector<16x1xi32> to vector<16xi32>
    %gather3A_467 = tpu.dynamic_gather %add3A_461[%gather3A_466] in [0] : vector<16xf32>, vector<16xi32> -> vector<16xf32>
    %add3A_468 = arith.addf %add3A_461, %gather3A_467 : vector<16xf32>
    %xor3A_469 = arith.constant 1 : i32
    %xor3A_470 = vector.broadcast %xor3A_469 : i32 to vector<16xi32>
    %xor3A_471 = arith.xori %iota3A_447, %xor3A_470 : vector<16xi32>
    %broadcast_in_dim3A_472 = vector.shape_cast %xor3A_471 : vector<16xi32> to vector<16x1xi32>
    %gather3A_473 = vector.shape_cast %broadcast_in_dim3A_472 : vector<16x1xi32> to vector<16xi32>
    %gather3A_474 = tpu.dynamic_gather %add3A_468[%gather3A_473] in [0] : vector<16xf32>, vector<16xi32> -> vector<16xf32>
    %add3A_475 = arith.addf %add3A_468, %gather3A_474 : vector<16xf32>
    %iota3A_476 = tpu.iota {dimensions = array<i32: 0>} : vector<16xi32>
    %broadcast_in_dim3A_477 = arith.constant 0 : i32
    %broadcast_in_dim3A_478 = vector.broadcast %broadcast_in_dim3A_477 : i32 to vector<16xi32>
    %iota3A_479 = tpu.iota {dimensions = array<i32: 0>} : vector<16xi32>
    %xor3A_480 = arith.constant 8 : i32
    %xor3A_481 = vector.broadcast %xor3A_480 : i32 to vector<16xi32>
    %xor3A_482 = arith.xori %iota3A_479, %xor3A_481 : vector<16xi32>
    %broadcast_in_dim3A_483 = vector.shape_cast %xor3A_482 : vector<16xi32> to vector<16x1xi32>
    %gather3A_484 = vector.shape_cast %broadcast_in_dim3A_483 : vector<16x1xi32> to vector<16xi32>
    %gather3A_485 = tpu.dynamic_gather %scan3A_107#8[%gather3A_484] in [0] : vector<16xf32>, vector<16xi32> -> vector<16xf32>
    %min3A_486 = arith.minimumf %scan3A_107#8, %gather3A_485 : vector<16xf32>
    %xor3A_487 = arith.constant 4 : i32
    %xor3A_488 = vector.broadcast %xor3A_487 : i32 to vector<16xi32>
    %xor3A_489 = arith.xori %iota3A_479, %xor3A_488 : vector<16xi32>
    %broadcast_in_dim3A_490 = vector.shape_cast %xor3A_489 : vector<16xi32> to vector<16x1xi32>
    %gather3A_491 = vector.shape_cast %broadcast_in_dim3A_490 : vector<16x1xi32> to vector<16xi32>
    %gather3A_492 = tpu.dynamic_gather %min3A_486[%gather3A_491] in [0] : vector<16xf32>, vector<16xi32> -> vector<16xf32>
    %min3A_493 = arith.minimumf %min3A_486, %gather3A_492 : vector<16xf32>
    %xor3A_494 = arith.constant 2 : i32
    %xor3A_495 = vector.broadcast %xor3A_494 : i32 to vector<16xi32>
    %xor3A_496 = arith.xori %iota3A_479, %xor3A_495 : vector<16xi32>
    %broadcast_in_dim3A_497 = vector.shape_cast %xor3A_496 : vector<16xi32> to vector<16x1xi32>
    %gather3A_498 = vector.shape_cast %broadcast_in_dim3A_497 : vector<16x1xi32> to vector<16xi32>
    %gather3A_499 = tpu.dynamic_gather %min3A_493[%gather3A_498] in [0] : vector<16xf32>, vector<16xi32> -> vector<16xf32>
    %min3A_500 = arith.minimumf %min3A_493, %gather3A_499 : vector<16xf32>
    %xor3A_501 = arith.constant 1 : i32
    %xor3A_502 = vector.broadcast %xor3A_501 : i32 to vector<16xi32>
    %xor3A_503 = arith.xori %iota3A_479, %xor3A_502 : vector<16xi32>
    %broadcast_in_dim3A_504 = vector.shape_cast %xor3A_503 : vector<16xi32> to vector<16x1xi32>
    %gather3A_505 = vector.shape_cast %broadcast_in_dim3A_504 : vector<16x1xi32> to vector<16xi32>
    %gather3A_506 = tpu.dynamic_gather %min3A_500[%gather3A_505] in [0] : vector<16xf32>, vector<16xi32> -> vector<16xf32>
    %min3A_507 = arith.minimumf %min3A_500, %gather3A_506 : vector<16xf32>
    %eq3A_508 = arith.cmpf oeq, %scan3A_107#8, %min3A_507 : vector<16xf32>
    %jit3A_509 = arith.constant 8192 : i32
    %broadcast_in_dim3A_510 = vector.broadcast %jit3A_509 : i32 to vector<16xi32>
    %select_n3A_511 = arith.select %eq3A_508, %scan3A_107#12, %broadcast_in_dim3A_510 : vector<16xi1>, vector<16xi32>
    %iota3A_512 = tpu.iota {dimensions = array<i32: 0>} : vector<16xi32>
    %xor3A_513 = arith.constant 8 : i32
    %xor3A_514 = vector.broadcast %xor3A_513 : i32 to vector<16xi32>
    %xor3A_515 = arith.xori %iota3A_512, %xor3A_514 : vector<16xi32>
    %broadcast_in_dim3A_516 = vector.shape_cast %xor3A_515 : vector<16xi32> to vector<16x1xi32>
    %gather3A_517 = vector.shape_cast %broadcast_in_dim3A_516 : vector<16x1xi32> to vector<16xi32>
    %gather3A_518 = tpu.dynamic_gather %select_n3A_511[%gather3A_517] in [0] : vector<16xi32>, vector<16xi32> -> vector<16xi32>
    %min3A_519 = arith.minsi %select_n3A_511, %gather3A_518 : vector<16xi32>
    %xor3A_520 = arith.constant 4 : i32
    %xor3A_521 = vector.broadcast %xor3A_520 : i32 to vector<16xi32>
    %xor3A_522 = arith.xori %iota3A_512, %xor3A_521 : vector<16xi32>
    %broadcast_in_dim3A_523 = vector.shape_cast %xor3A_522 : vector<16xi32> to vector<16x1xi32>
    %gather3A_524 = vector.shape_cast %broadcast_in_dim3A_523 : vector<16x1xi32> to vector<16xi32>
    %gather3A_525 = tpu.dynamic_gather %min3A_519[%gather3A_524] in [0] : vector<16xi32>, vector<16xi32> -> vector<16xi32>
    %min3A_526 = arith.minsi %min3A_519, %gather3A_525 : vector<16xi32>
    %xor3A_527 = arith.constant 2 : i32
    %xor3A_528 = vector.broadcast %xor3A_527 : i32 to vector<16xi32>
    %xor3A_529 = arith.xori %iota3A_512, %xor3A_528 : vector<16xi32>
    %broadcast_in_dim3A_530 = vector.shape_cast %xor3A_529 : vector<16xi32> to vector<16x1xi32>
    %gather3A_531 = vector.shape_cast %broadcast_in_dim3A_530 : vector<16x1xi32> to vector<16xi32>
    %gather3A_532 = tpu.dynamic_gather %min3A_526[%gather3A_531] in [0] : vector<16xi32>, vector<16xi32> -> vector<16xi32>
    %min3A_533 = arith.minsi %min3A_526, %gather3A_532 : vector<16xi32>
    %xor3A_534 = arith.constant 1 : i32
    %xor3A_535 = vector.broadcast %xor3A_534 : i32 to vector<16xi32>
    %xor3A_536 = arith.xori %iota3A_512, %xor3A_535 : vector<16xi32>
    %broadcast_in_dim3A_537 = vector.shape_cast %xor3A_536 : vector<16xi32> to vector<16x1xi32>
    %gather3A_538 = vector.shape_cast %broadcast_in_dim3A_537 : vector<16x1xi32> to vector<16xi32>
    %gather3A_539 = tpu.dynamic_gather %min3A_533[%gather3A_538] in [0] : vector<16xi32>, vector<16xi32> -> vector<16xi32>
    %min3A_540 = arith.minsi %min3A_533, %gather3A_539 : vector<16xi32>
    %eq3A_541 = arith.constant 0 : i32
    %eq3A_542 = vector.broadcast %eq3A_541 : i32 to vector<16xi32>
    %eq3A_543 = arith.cmpi eq, %iota3A_476, %eq3A_542 : vector<16xi32>
    %select_n3A_544 = arith.select %eq3A_543, %min3A_540, %broadcast_in_dim3A_478 : vector<16xi1>, vector<16xi32>
    %eq3A_545 = arith.cmpf oeq, %scan3A_107#8, %min3A_507 : vector<16xf32>
    %eq3A_546 = arith.cmpi eq, %scan3A_107#12, %min3A_540 : vector<16xi32>
    %and3A_547 = arith.andi %eq3A_545, %eq3A_546 : vector<16xi1>
    %select_n3A_548 = arith.select %and3A_547, %scan3A_107#9, %scan3A_107#8 : vector<16xi1>, vector<16xf32>
    %select_n3A_549 = arith.select %and3A_547, %scan3A_107#13, %scan3A_107#12 : vector<16xi1>, vector<16xi32>
    %select_n3A_550 = arith.select %and3A_547, %scan3A_107#10, %scan3A_107#9 : vector<16xi1>, vector<16xf32>
    %select_n3A_551 = arith.select %and3A_547, %scan3A_107#14, %scan3A_107#13 : vector<16xi1>, vector<16xi32>
    %select_n3A_552 = arith.select %and3A_547, %scan3A_107#11, %scan3A_107#10 : vector<16xi1>, vector<16xf32>
    %select_n3A_553 = arith.select %and3A_547, %scan3A_107#15, %scan3A_107#14 : vector<16xi1>, vector<16xi32>
    %jit3A_554 = arith.constant 0x7F800000 : f32
    %broadcast_in_dim3A_555 = vector.broadcast %jit3A_554 : f32 to vector<16xf32>
    %select_n3A_556 = arith.select %and3A_547, %broadcast_in_dim3A_555, %scan3A_107#11 : vector<16xi1>, vector<16xf32>
    %jit3A_557 = arith.constant 8192 : i32
    %broadcast_in_dim3A_558 = vector.broadcast %jit3A_557 : i32 to vector<16xi32>
    %select_n3A_559 = arith.select %and3A_547, %broadcast_in_dim3A_558, %scan3A_107#15 : vector<16xi1>, vector<16xi32>
    %iota3A_560 = tpu.iota {dimensions = array<i32: 0>} : vector<16xi32>
    %xor3A_561 = arith.constant 8 : i32
    %xor3A_562 = vector.broadcast %xor3A_561 : i32 to vector<16xi32>
    %xor3A_563 = arith.xori %iota3A_560, %xor3A_562 : vector<16xi32>
    %broadcast_in_dim3A_564 = vector.shape_cast %xor3A_563 : vector<16xi32> to vector<16x1xi32>
    %gather3A_565 = vector.shape_cast %broadcast_in_dim3A_564 : vector<16x1xi32> to vector<16xi32>
    %gather3A_566 = tpu.dynamic_gather %select_n3A_548[%gather3A_565] in [0] : vector<16xf32>, vector<16xi32> -> vector<16xf32>
    %min3A_567 = arith.minimumf %select_n3A_548, %gather3A_566 : vector<16xf32>
    %xor3A_568 = arith.constant 4 : i32
    %xor3A_569 = vector.broadcast %xor3A_568 : i32 to vector<16xi32>
    %xor3A_570 = arith.xori %iota3A_560, %xor3A_569 : vector<16xi32>
    %broadcast_in_dim3A_571 = vector.shape_cast %xor3A_570 : vector<16xi32> to vector<16x1xi32>
    %gather3A_572 = vector.shape_cast %broadcast_in_dim3A_571 : vector<16x1xi32> to vector<16xi32>
    %gather3A_573 = tpu.dynamic_gather %min3A_567[%gather3A_572] in [0] : vector<16xf32>, vector<16xi32> -> vector<16xf32>
    %min3A_574 = arith.minimumf %min3A_567, %gather3A_573 : vector<16xf32>
    %xor3A_575 = arith.constant 2 : i32
    %xor3A_576 = vector.broadcast %xor3A_575 : i32 to vector<16xi32>
    %xor3A_577 = arith.xori %iota3A_560, %xor3A_576 : vector<16xi32>
    %broadcast_in_dim3A_578 = vector.shape_cast %xor3A_577 : vector<16xi32> to vector<16x1xi32>
    %gather3A_579 = vector.shape_cast %broadcast_in_dim3A_578 : vector<16x1xi32> to vector<16xi32>
    %gather3A_580 = tpu.dynamic_gather %min3A_574[%gather3A_579] in [0] : vector<16xf32>, vector<16xi32> -> vector<16xf32>
    %min3A_581 = arith.minimumf %min3A_574, %gather3A_580 : vector<16xf32>
    %xor3A_582 = arith.constant 1 : i32
    %xor3A_583 = vector.broadcast %xor3A_582 : i32 to vector<16xi32>
    %xor3A_584 = arith.xori %iota3A_560, %xor3A_583 : vector<16xi32>
    %broadcast_in_dim3A_585 = vector.shape_cast %xor3A_584 : vector<16xi32> to vector<16x1xi32>
    %gather3A_586 = vector.shape_cast %broadcast_in_dim3A_585 : vector<16x1xi32> to vector<16xi32>
    %gather3A_587 = tpu.dynamic_gather %min3A_581[%gather3A_586] in [0] : vector<16xf32>, vector<16xi32> -> vector<16xf32>
    %min3A_588 = arith.minimumf %min3A_581, %gather3A_587 : vector<16xf32>
    %eq3A_589 = arith.cmpf oeq, %select_n3A_548, %min3A_588 : vector<16xf32>
    %jit3A_590 = arith.constant 8192 : i32
    %broadcast_in_dim3A_591 = vector.broadcast %jit3A_590 : i32 to vector<16xi32>
    %select_n3A_592 = arith.select %eq3A_589, %select_n3A_549, %broadcast_in_dim3A_591 : vector<16xi1>, vector<16xi32>
    %iota3A_593 = tpu.iota {dimensions = array<i32: 0>} : vector<16xi32>
    %xor3A_594 = arith.constant 8 : i32
    %xor3A_595 = vector.broadcast %xor3A_594 : i32 to vector<16xi32>
    %xor3A_596 = arith.xori %iota3A_593, %xor3A_595 : vector<16xi32>
    %broadcast_in_dim3A_597 = vector.shape_cast %xor3A_596 : vector<16xi32> to vector<16x1xi32>
    %gather3A_598 = vector.shape_cast %broadcast_in_dim3A_597 : vector<16x1xi32> to vector<16xi32>
    %gather3A_599 = tpu.dynamic_gather %select_n3A_592[%gather3A_598] in [0] : vector<16xi32>, vector<16xi32> -> vector<16xi32>
    %min3A_600 = arith.minsi %select_n3A_592, %gather3A_599 : vector<16xi32>
    %xor3A_601 = arith.constant 4 : i32
    %xor3A_602 = vector.broadcast %xor3A_601 : i32 to vector<16xi32>
    %xor3A_603 = arith.xori %iota3A_593, %xor3A_602 : vector<16xi32>
    %broadcast_in_dim3A_604 = vector.shape_cast %xor3A_603 : vector<16xi32> to vector<16x1xi32>
    %gather3A_605 = vector.shape_cast %broadcast_in_dim3A_604 : vector<16x1xi32> to vector<16xi32>
    %gather3A_606 = tpu.dynamic_gather %min3A_600[%gather3A_605] in [0] : vector<16xi32>, vector<16xi32> -> vector<16xi32>
    %min3A_607 = arith.minsi %min3A_600, %gather3A_606 : vector<16xi32>
    %xor3A_608 = arith.constant 2 : i32
    %xor3A_609 = vector.broadcast %xor3A_608 : i32 to vector<16xi32>
    %xor3A_610 = arith.xori %iota3A_593, %xor3A_609 : vector<16xi32>
    %broadcast_in_dim3A_611 = vector.shape_cast %xor3A_610 : vector<16xi32> to vector<16x1xi32>
    %gather3A_612 = vector.shape_cast %broadcast_in_dim3A_611 : vector<16x1xi32> to vector<16xi32>
    %gather3A_613 = tpu.dynamic_gather %min3A_607[%gather3A_612] in [0] : vector<16xi32>, vector<16xi32> -> vector<16xi32>
    %min3A_614 = arith.minsi %min3A_607, %gather3A_613 : vector<16xi32>
    %xor3A_615 = arith.constant 1 : i32
    %xor3A_616 = vector.broadcast %xor3A_615 : i32 to vector<16xi32>
    %xor3A_617 = arith.xori %iota3A_593, %xor3A_616 : vector<16xi32>
    %broadcast_in_dim3A_618 = vector.shape_cast %xor3A_617 : vector<16xi32> to vector<16x1xi32>
    %gather3A_619 = vector.shape_cast %broadcast_in_dim3A_618 : vector<16x1xi32> to vector<16xi32>
    %gather3A_620 = tpu.dynamic_gather %min3A_614[%gather3A_619] in [0] : vector<16xi32>, vector<16xi32> -> vector<16xi32>
    %min3A_621 = arith.minsi %min3A_614, %gather3A_620 : vector<16xi32>
    %eq3A_622 = arith.constant 1 : i32
    %eq3A_623 = vector.broadcast %eq3A_622 : i32 to vector<16xi32>
    %eq3A_624 = arith.cmpi eq, %iota3A_476, %eq3A_623 : vector<16xi32>
    %select_n3A_625 = arith.select %eq3A_624, %min3A_621, %select_n3A_544 : vector<16xi1>, vector<16xi32>
    %eq3A_626 = arith.cmpf oeq, %select_n3A_548, %min3A_588 : vector<16xf32>
    %eq3A_627 = arith.cmpi eq, %select_n3A_549, %min3A_621 : vector<16xi32>
    %and3A_628 = arith.andi %eq3A_626, %eq3A_627 : vector<16xi1>
    %select_n3A_629 = arith.select %and3A_628, %select_n3A_550, %select_n3A_548 : vector<16xi1>, vector<16xf32>
    %select_n3A_630 = arith.select %and3A_628, %select_n3A_551, %select_n3A_549 : vector<16xi1>, vector<16xi32>
    %select_n3A_631 = arith.select %and3A_628, %select_n3A_552, %select_n3A_550 : vector<16xi1>, vector<16xf32>
    %select_n3A_632 = arith.select %and3A_628, %select_n3A_553, %select_n3A_551 : vector<16xi1>, vector<16xi32>
    %select_n3A_633 = arith.select %and3A_628, %select_n3A_556, %select_n3A_552 : vector<16xi1>, vector<16xf32>
    %select_n3A_634 = arith.select %and3A_628, %select_n3A_559, %select_n3A_553 : vector<16xi1>, vector<16xi32>
    %jit3A_635 = arith.constant 0x7F800000 : f32
    %broadcast_in_dim3A_636 = vector.broadcast %jit3A_635 : f32 to vector<16xf32>
    %select_n3A_637 = arith.select %and3A_628, %broadcast_in_dim3A_636, %select_n3A_556 : vector<16xi1>, vector<16xf32>
    %jit3A_638 = arith.constant 8192 : i32
    %broadcast_in_dim3A_639 = vector.broadcast %jit3A_638 : i32 to vector<16xi32>
    %select_n3A_640 = arith.select %and3A_628, %broadcast_in_dim3A_639, %select_n3A_559 : vector<16xi1>, vector<16xi32>
    %iota3A_641 = tpu.iota {dimensions = array<i32: 0>} : vector<16xi32>
    %xor3A_642 = arith.constant 8 : i32
    %xor3A_643 = vector.broadcast %xor3A_642 : i32 to vector<16xi32>
    %xor3A_644 = arith.xori %iota3A_641, %xor3A_643 : vector<16xi32>
    %broadcast_in_dim3A_645 = vector.shape_cast %xor3A_644 : vector<16xi32> to vector<16x1xi32>
    %gather3A_646 = vector.shape_cast %broadcast_in_dim3A_645 : vector<16x1xi32> to vector<16xi32>
    %gather3A_647 = tpu.dynamic_gather %select_n3A_629[%gather3A_646] in [0] : vector<16xf32>, vector<16xi32> -> vector<16xf32>
    %min3A_648 = arith.minimumf %select_n3A_629, %gather3A_647 : vector<16xf32>
    %xor3A_649 = arith.constant 4 : i32
    %xor3A_650 = vector.broadcast %xor3A_649 : i32 to vector<16xi32>
    %xor3A_651 = arith.xori %iota3A_641, %xor3A_650 : vector<16xi32>
    %broadcast_in_dim3A_652 = vector.shape_cast %xor3A_651 : vector<16xi32> to vector<16x1xi32>
    %gather3A_653 = vector.shape_cast %broadcast_in_dim3A_652 : vector<16x1xi32> to vector<16xi32>
    %gather3A_654 = tpu.dynamic_gather %min3A_648[%gather3A_653] in [0] : vector<16xf32>, vector<16xi32> -> vector<16xf32>
    %min3A_655 = arith.minimumf %min3A_648, %gather3A_654 : vector<16xf32>
    %xor3A_656 = arith.constant 2 : i32
    %xor3A_657 = vector.broadcast %xor3A_656 : i32 to vector<16xi32>
    %xor3A_658 = arith.xori %iota3A_641, %xor3A_657 : vector<16xi32>
    %broadcast_in_dim3A_659 = vector.shape_cast %xor3A_658 : vector<16xi32> to vector<16x1xi32>
    %gather3A_660 = vector.shape_cast %broadcast_in_dim3A_659 : vector<16x1xi32> to vector<16xi32>
    %gather3A_661 = tpu.dynamic_gather %min3A_655[%gather3A_660] in [0] : vector<16xf32>, vector<16xi32> -> vector<16xf32>
    %min3A_662 = arith.minimumf %min3A_655, %gather3A_661 : vector<16xf32>
    %xor3A_663 = arith.constant 1 : i32
    %xor3A_664 = vector.broadcast %xor3A_663 : i32 to vector<16xi32>
    %xor3A_665 = arith.xori %iota3A_641, %xor3A_664 : vector<16xi32>
    %broadcast_in_dim3A_666 = vector.shape_cast %xor3A_665 : vector<16xi32> to vector<16x1xi32>
    %gather3A_667 = vector.shape_cast %broadcast_in_dim3A_666 : vector<16x1xi32> to vector<16xi32>
    %gather3A_668 = tpu.dynamic_gather %min3A_662[%gather3A_667] in [0] : vector<16xf32>, vector<16xi32> -> vector<16xf32>
    %min3A_669 = arith.minimumf %min3A_662, %gather3A_668 : vector<16xf32>
    %eq3A_670 = arith.cmpf oeq, %select_n3A_629, %min3A_669 : vector<16xf32>
    %jit3A_671 = arith.constant 8192 : i32
    %broadcast_in_dim3A_672 = vector.broadcast %jit3A_671 : i32 to vector<16xi32>
    %select_n3A_673 = arith.select %eq3A_670, %select_n3A_630, %broadcast_in_dim3A_672 : vector<16xi1>, vector<16xi32>
    %iota3A_674 = tpu.iota {dimensions = array<i32: 0>} : vector<16xi32>
    %xor3A_675 = arith.constant 8 : i32
    %xor3A_676 = vector.broadcast %xor3A_675 : i32 to vector<16xi32>
    %xor3A_677 = arith.xori %iota3A_674, %xor3A_676 : vector<16xi32>
    %broadcast_in_dim3A_678 = vector.shape_cast %xor3A_677 : vector<16xi32> to vector<16x1xi32>
    %gather3A_679 = vector.shape_cast %broadcast_in_dim3A_678 : vector<16x1xi32> to vector<16xi32>
    %gather3A_680 = tpu.dynamic_gather %select_n3A_673[%gather3A_679] in [0] : vector<16xi32>, vector<16xi32> -> vector<16xi32>
    %min3A_681 = arith.minsi %select_n3A_673, %gather3A_680 : vector<16xi32>
    %xor3A_682 = arith.constant 4 : i32
    %xor3A_683 = vector.broadcast %xor3A_682 : i32 to vector<16xi32>
    %xor3A_684 = arith.xori %iota3A_674, %xor3A_683 : vector<16xi32>
    %broadcast_in_dim3A_685 = vector.shape_cast %xor3A_684 : vector<16xi32> to vector<16x1xi32>
    %gather3A_686 = vector.shape_cast %broadcast_in_dim3A_685 : vector<16x1xi32> to vector<16xi32>
    %gather3A_687 = tpu.dynamic_gather %min3A_681[%gather3A_686] in [0] : vector<16xi32>, vector<16xi32> -> vector<16xi32>
    %min3A_688 = arith.minsi %min3A_681, %gather3A_687 : vector<16xi32>
    %xor3A_689 = arith.constant 2 : i32
    %xor3A_690 = vector.broadcast %xor3A_689 : i32 to vector<16xi32>
    %xor3A_691 = arith.xori %iota3A_674, %xor3A_690 : vector<16xi32>
    %broadcast_in_dim3A_692 = vector.shape_cast %xor3A_691 : vector<16xi32> to vector<16x1xi32>
    %gather3A_693 = vector.shape_cast %broadcast_in_dim3A_692 : vector<16x1xi32> to vector<16xi32>
    %gather3A_694 = tpu.dynamic_gather %min3A_688[%gather3A_693] in [0] : vector<16xi32>, vector<16xi32> -> vector<16xi32>
    %min3A_695 = arith.minsi %min3A_688, %gather3A_694 : vector<16xi32>
    %xor3A_696 = arith.constant 1 : i32
    %xor3A_697 = vector.broadcast %xor3A_696 : i32 to vector<16xi32>
    %xor3A_698 = arith.xori %iota3A_674, %xor3A_697 : vector<16xi32>
    %broadcast_in_dim3A_699 = vector.shape_cast %xor3A_698 : vector<16xi32> to vector<16x1xi32>
    %gather3A_700 = vector.shape_cast %broadcast_in_dim3A_699 : vector<16x1xi32> to vector<16xi32>
    %gather3A_701 = tpu.dynamic_gather %min3A_695[%gather3A_700] in [0] : vector<16xi32>, vector<16xi32> -> vector<16xi32>
    %min3A_702 = arith.minsi %min3A_695, %gather3A_701 : vector<16xi32>
    %eq3A_703 = arith.constant 2 : i32
    %eq3A_704 = vector.broadcast %eq3A_703 : i32 to vector<16xi32>
    %eq3A_705 = arith.cmpi eq, %iota3A_476, %eq3A_704 : vector<16xi32>
    %select_n3A_706 = arith.select %eq3A_705, %min3A_702, %select_n3A_625 : vector<16xi1>, vector<16xi32>
    %eq3A_707 = arith.cmpf oeq, %select_n3A_629, %min3A_669 : vector<16xf32>
    %eq3A_708 = arith.cmpi eq, %select_n3A_630, %min3A_702 : vector<16xi32>
    %and3A_709 = arith.andi %eq3A_707, %eq3A_708 : vector<16xi1>
    %select_n3A_710 = arith.select %and3A_709, %select_n3A_631, %select_n3A_629 : vector<16xi1>, vector<16xf32>
    %select_n3A_711 = arith.select %and3A_709, %select_n3A_632, %select_n3A_630 : vector<16xi1>, vector<16xi32>
    %select_n3A_712 = arith.select %and3A_709, %select_n3A_633, %select_n3A_631 : vector<16xi1>, vector<16xf32>
    %select_n3A_713 = arith.select %and3A_709, %select_n3A_634, %select_n3A_632 : vector<16xi1>, vector<16xi32>
    %select_n3A_714 = arith.select %and3A_709, %select_n3A_637, %select_n3A_633 : vector<16xi1>, vector<16xf32>
    %select_n3A_715 = arith.select %and3A_709, %select_n3A_640, %select_n3A_634 : vector<16xi1>, vector<16xi32>
    %jit3A_716 = arith.constant 0x7F800000 : f32
    %broadcast_in_dim3A_717 = vector.broadcast %jit3A_716 : f32 to vector<16xf32>
    %select_n3A_718 = arith.select %and3A_709, %broadcast_in_dim3A_717, %select_n3A_637 : vector<16xi1>, vector<16xf32>
    %jit3A_719 = arith.constant 8192 : i32
    %broadcast_in_dim3A_720 = vector.broadcast %jit3A_719 : i32 to vector<16xi32>
    %select_n3A_721 = arith.select %and3A_709, %broadcast_in_dim3A_720, %select_n3A_640 : vector<16xi1>, vector<16xi32>
    %iota3A_722 = tpu.iota {dimensions = array<i32: 0>} : vector<16xi32>
    %xor3A_723 = arith.constant 8 : i32
    %xor3A_724 = vector.broadcast %xor3A_723 : i32 to vector<16xi32>
    %xor3A_725 = arith.xori %iota3A_722, %xor3A_724 : vector<16xi32>
    %broadcast_in_dim3A_726 = vector.shape_cast %xor3A_725 : vector<16xi32> to vector<16x1xi32>
    %gather3A_727 = vector.shape_cast %broadcast_in_dim3A_726 : vector<16x1xi32> to vector<16xi32>
    %gather3A_728 = tpu.dynamic_gather %select_n3A_710[%gather3A_727] in [0] : vector<16xf32>, vector<16xi32> -> vector<16xf32>
    %min3A_729 = arith.minimumf %select_n3A_710, %gather3A_728 : vector<16xf32>
    %xor3A_730 = arith.constant 4 : i32
    %xor3A_731 = vector.broadcast %xor3A_730 : i32 to vector<16xi32>
    %xor3A_732 = arith.xori %iota3A_722, %xor3A_731 : vector<16xi32>
    %broadcast_in_dim3A_733 = vector.shape_cast %xor3A_732 : vector<16xi32> to vector<16x1xi32>
    %gather3A_734 = vector.shape_cast %broadcast_in_dim3A_733 : vector<16x1xi32> to vector<16xi32>
    %gather3A_735 = tpu.dynamic_gather %min3A_729[%gather3A_734] in [0] : vector<16xf32>, vector<16xi32> -> vector<16xf32>
    %min3A_736 = arith.minimumf %min3A_729, %gather3A_735 : vector<16xf32>
    %xor3A_737 = arith.constant 2 : i32
    %xor3A_738 = vector.broadcast %xor3A_737 : i32 to vector<16xi32>
    %xor3A_739 = arith.xori %iota3A_722, %xor3A_738 : vector<16xi32>
    %broadcast_in_dim3A_740 = vector.shape_cast %xor3A_739 : vector<16xi32> to vector<16x1xi32>
    %gather3A_741 = vector.shape_cast %broadcast_in_dim3A_740 : vector<16x1xi32> to vector<16xi32>
    %gather3A_742 = tpu.dynamic_gather %min3A_736[%gather3A_741] in [0] : vector<16xf32>, vector<16xi32> -> vector<16xf32>
    %min3A_743 = arith.minimumf %min3A_736, %gather3A_742 : vector<16xf32>
    %xor3A_744 = arith.constant 1 : i32
    %xor3A_745 = vector.broadcast %xor3A_744 : i32 to vector<16xi32>
    %xor3A_746 = arith.xori %iota3A_722, %xor3A_745 : vector<16xi32>
    %broadcast_in_dim3A_747 = vector.shape_cast %xor3A_746 : vector<16xi32> to vector<16x1xi32>
    %gather3A_748 = vector.shape_cast %broadcast_in_dim3A_747 : vector<16x1xi32> to vector<16xi32>
    %gather3A_749 = tpu.dynamic_gather %min3A_743[%gather3A_748] in [0] : vector<16xf32>, vector<16xi32> -> vector<16xf32>
    %min3A_750 = arith.minimumf %min3A_743, %gather3A_749 : vector<16xf32>
    %eq3A_751 = arith.cmpf oeq, %select_n3A_710, %min3A_750 : vector<16xf32>
    %jit3A_752 = arith.constant 8192 : i32
    %broadcast_in_dim3A_753 = vector.broadcast %jit3A_752 : i32 to vector<16xi32>
    %select_n3A_754 = arith.select %eq3A_751, %select_n3A_711, %broadcast_in_dim3A_753 : vector<16xi1>, vector<16xi32>
    %iota3A_755 = tpu.iota {dimensions = array<i32: 0>} : vector<16xi32>
    %xor3A_756 = arith.constant 8 : i32
    %xor3A_757 = vector.broadcast %xor3A_756 : i32 to vector<16xi32>
    %xor3A_758 = arith.xori %iota3A_755, %xor3A_757 : vector<16xi32>
    %broadcast_in_dim3A_759 = vector.shape_cast %xor3A_758 : vector<16xi32> to vector<16x1xi32>
    %gather3A_760 = vector.shape_cast %broadcast_in_dim3A_759 : vector<16x1xi32> to vector<16xi32>
    %gather3A_761 = tpu.dynamic_gather %select_n3A_754[%gather3A_760] in [0] : vector<16xi32>, vector<16xi32> -> vector<16xi32>
    %min3A_762 = arith.minsi %select_n3A_754, %gather3A_761 : vector<16xi32>
    %xor3A_763 = arith.constant 4 : i32
    %xor3A_764 = vector.broadcast %xor3A_763 : i32 to vector<16xi32>
    %xor3A_765 = arith.xori %iota3A_755, %xor3A_764 : vector<16xi32>
    %broadcast_in_dim3A_766 = vector.shape_cast %xor3A_765 : vector<16xi32> to vector<16x1xi32>
    %gather3A_767 = vector.shape_cast %broadcast_in_dim3A_766 : vector<16x1xi32> to vector<16xi32>
    %gather3A_768 = tpu.dynamic_gather %min3A_762[%gather3A_767] in [0] : vector<16xi32>, vector<16xi32> -> vector<16xi32>
    %min3A_769 = arith.minsi %min3A_762, %gather3A_768 : vector<16xi32>
    %xor3A_770 = arith.constant 2 : i32
    %xor3A_771 = vector.broadcast %xor3A_770 : i32 to vector<16xi32>
    %xor3A_772 = arith.xori %iota3A_755, %xor3A_771 : vector<16xi32>
    %broadcast_in_dim3A_773 = vector.shape_cast %xor3A_772 : vector<16xi32> to vector<16x1xi32>
    %gather3A_774 = vector.shape_cast %broadcast_in_dim3A_773 : vector<16x1xi32> to vector<16xi32>
    %gather3A_775 = tpu.dynamic_gather %min3A_769[%gather3A_774] in [0] : vector<16xi32>, vector<16xi32> -> vector<16xi32>
    %min3A_776 = arith.minsi %min3A_769, %gather3A_775 : vector<16xi32>
    %xor3A_777 = arith.constant 1 : i32
    %xor3A_778 = vector.broadcast %xor3A_777 : i32 to vector<16xi32>
    %xor3A_779 = arith.xori %iota3A_755, %xor3A_778 : vector<16xi32>
    %broadcast_in_dim3A_780 = vector.shape_cast %xor3A_779 : vector<16xi32> to vector<16x1xi32>
    %gather3A_781 = vector.shape_cast %broadcast_in_dim3A_780 : vector<16x1xi32> to vector<16xi32>
    %gather3A_782 = tpu.dynamic_gather %min3A_776[%gather3A_781] in [0] : vector<16xi32>, vector<16xi32> -> vector<16xi32>
    %min3A_783 = arith.minsi %min3A_776, %gather3A_782 : vector<16xi32>
    %eq3A_784 = arith.constant 3 : i32
    %eq3A_785 = vector.broadcast %eq3A_784 : i32 to vector<16xi32>
    %eq3A_786 = arith.cmpi eq, %iota3A_476, %eq3A_785 : vector<16xi32>
    %select_n3A_787 = arith.select %eq3A_786, %min3A_783, %select_n3A_706 : vector<16xi1>, vector<16xi32>
    %eq3A_788 = arith.cmpf oeq, %select_n3A_710, %min3A_750 : vector<16xf32>
    %eq3A_789 = arith.cmpi eq, %select_n3A_711, %min3A_783 : vector<16xi32>
    %and3A_790 = arith.andi %eq3A_788, %eq3A_789 : vector<16xi1>
    %select_n3A_791 = arith.select %and3A_790, %select_n3A_712, %select_n3A_710 : vector<16xi1>, vector<16xf32>
    %select_n3A_792 = arith.select %and3A_790, %select_n3A_713, %select_n3A_711 : vector<16xi1>, vector<16xi32>
    %select_n3A_793 = arith.select %and3A_790, %select_n3A_714, %select_n3A_712 : vector<16xi1>, vector<16xf32>
    %select_n3A_794 = arith.select %and3A_790, %select_n3A_715, %select_n3A_713 : vector<16xi1>, vector<16xi32>
    %select_n3A_795 = arith.select %and3A_790, %select_n3A_718, %select_n3A_714 : vector<16xi1>, vector<16xf32>
    %select_n3A_796 = arith.select %and3A_790, %select_n3A_721, %select_n3A_715 : vector<16xi1>, vector<16xi32>
    %jit3A_797 = arith.constant 0x7F800000 : f32
    %broadcast_in_dim3A_798 = vector.broadcast %jit3A_797 : f32 to vector<16xf32>
    %select_n3A_799 = arith.select %and3A_790, %broadcast_in_dim3A_798, %select_n3A_718 : vector<16xi1>, vector<16xf32>
    %jit3A_800 = arith.constant 8192 : i32
    %broadcast_in_dim3A_801 = vector.broadcast %jit3A_800 : i32 to vector<16xi32>
    %select_n3A_802 = arith.select %and3A_790, %broadcast_in_dim3A_801, %select_n3A_721 : vector<16xi1>, vector<16xi32>
    %gather3A_803 = tpu.vector_load_idx %arg8[%select_n3A_787] : memref<8192xf32, #tpu.memory_space<vmem>>[vector<16xi32>], vector<16xf32>,
    %lt3A_804 = arith.constant 4 : i32
    %lt3A_805 = vector.broadcast %lt3A_804 : i32 to vector<16xi32>
    %lt3A_806 = arith.cmpi slt, %iota3A_476, %lt3A_805 : vector<16xi32>
    %jit3A_807 = arith.constant 0.000000e+00 : f32
    %broadcast_in_dim3A_808 = vector.broadcast %jit3A_807 : f32 to vector<16xf32>
    %select_n3A_809 = arith.select %lt3A_806, %gather3A_803, %broadcast_in_dim3A_808 : vector<16xi1>, vector<16xf32>
    %iota3A_810 = tpu.iota {dimensions = array<i32: 0>} : vector<16xi32>
    %xor3A_811 = arith.constant 8 : i32
    %xor3A_812 = vector.broadcast %xor3A_811 : i32 to vector<16xi32>
    %xor3A_813 = arith.xori %iota3A_810, %xor3A_812 : vector<16xi32>
    %broadcast_in_dim3A_814 = vector.shape_cast %xor3A_813 : vector<16xi32> to vector<16x1xi32>
    %gather3A_815 = vector.shape_cast %broadcast_in_dim3A_814 : vector<16x1xi32> to vector<16xi32>
    %gather3A_816 = tpu.dynamic_gather %select_n3A_809[%gather3A_815] in [0] : vector<16xf32>, vector<16xi32> -> vector<16xf32>
    %add3A_817 = arith.addf %select_n3A_809, %gather3A_816 : vector<16xf32>
    %xor3A_818 = arith.constant 4 : i32
    %xor3A_819 = vector.broadcast %xor3A_818 : i32 to vector<16xi32>
    %xor3A_820 = arith.xori %iota3A_810, %xor3A_819 : vector<16xi32>
    %broadcast_in_dim3A_821 = vector.shape_cast %xor3A_820 : vector<16xi32> to vector<16x1xi32>
    %gather3A_822 = vector.shape_cast %broadcast_in_dim3A_821 : vector<16x1xi32> to vector<16xi32>
    %gather3A_823 = tpu.dynamic_gather %add3A_817[%gather3A_822] in [0] : vector<16xf32>, vector<16xi32> -> vector<16xf32>
    %add3A_824 = arith.addf %add3A_817, %gather3A_823 : vector<16xf32>
    %xor3A_825 = arith.constant 2 : i32
    %xor3A_826 = vector.broadcast %xor3A_825 : i32 to vector<16xi32>
    %xor3A_827 = arith.xori %iota3A_810, %xor3A_826 : vector<16xi32>
    %broadcast_in_dim3A_828 = vector.shape_cast %xor3A_827 : vector<16xi32> to vector<16x1xi32>
    %gather3A_829 = vector.shape_cast %broadcast_in_dim3A_828 : vector<16x1xi32> to vector<16xi32>
    %gather3A_830 = tpu.dynamic_gather %add3A_824[%gather3A_829] in [0] : vector<16xf32>, vector<16xi32> -> vector<16xf32>
    %add3A_831 = arith.addf %add3A_824, %gather3A_830 : vector<16xf32>
    %xor3A_832 = arith.constant 1 : i32
    %xor3A_833 = vector.broadcast %xor3A_832 : i32 to vector<16xi32>
    %xor3A_834 = arith.xori %iota3A_810, %xor3A_833 : vector<16xi32>
    %broadcast_in_dim3A_835 = vector.shape_cast %xor3A_834 : vector<16xi32> to vector<16x1xi32>
    %gather3A_836 = vector.shape_cast %broadcast_in_dim3A_835 : vector<16x1xi32> to vector<16xi32>
    %gather3A_837 = tpu.dynamic_gather %add3A_831[%gather3A_836] in [0] : vector<16xf32>, vector<16xi32> -> vector<16xf32>
    %add3A_838 = arith.addf %add3A_831, %gather3A_837 : vector<16xf32>
    %eq3A_839 = arith.constant 0 : i32
    %eq3A_840 = vector.broadcast %eq3A_839 : i32 to vector<16xi32>
    %eq3A_841 = arith.cmpi eq, %iota3A, %eq3A_840 : vector<16xi32>
    %add3A_842 = arith.addf %add3A_475, %add3A_838 : vector<16xf32>
    %jit3A_843 = arith.constant 0.000000e+00 : f32
    %broadcast_in_dim3A_844 = vector.broadcast %jit3A_843 : f32 to vector<16xf32>
    %select_n3A_845 = arith.select %eq3A_841, %add3A_842, %broadcast_in_dim3A_844 : vector<16xi1>, vector<16xf32>
    %swap3A = arith.constant 0 : index
    %swap3A_846 = tpu.vector_load %arg9[%swap3A] {strides = array<i32>} : memref<16xf32, #tpu.memory_space<vmem>>, vector<16xf32>,
    tpu.vector_store %arg9[%swap3A], %select_n3A_845 {strides = array<i32>} : memref<16xf32, #tpu.memory_space<vmem>>, vector<16xf32>,
    "tpu.region"() ({
      %run_scoped3A = tpu.sem_alloc : memref<!tpu.dma_semaphore, #tpu.memory_space<semaphore_mem>>
      %dma_start3A_847 = arith.constant 0 : i32
      %dma_start3A_848 = tpu.memref_slice %arg4[%add3A, %dma_start3A_847] : memref<32x16xf32, #tpu.memory_space<hbm>> -> memref<1x16xf32, #tpu.memory_space<hbm>>
      %dma_start3A_849 = tpu.memref_squeeze %dma_start3A_848 : memref<1x16xf32, #tpu.memory_space<hbm>> -> memref<16xf32, #tpu.memory_space<hbm>>
      %dma_start3A_850 = arith.constant 0 : i32
      %dma_start3A_851 = tpu.memref_slice %arg4[%add3A, %dma_start3A_850] : memref<32x16xf32, #tpu.memory_space<hbm>> -> memref<1x16xf32, #tpu.memory_space<hbm>>
      %dma_start3A_852 = tpu.memref_squeeze %dma_start3A_851 : memref<1x16xf32, #tpu.memory_space<hbm>> -> memref<16xf32, #tpu.memory_space<hbm>>
      tpu.enqueue_dma source(%arg9 : memref<16xf32, #tpu.memory_space<vmem>>) target(%dma_start3A_852 : memref<16xf32, #tpu.memory_space<hbm>>) target_semaphore(%run_scoped3A : memref<!tpu.dma_semaphore, #tpu.memory_space<semaphore_mem>>)
      %dma_wait3A_853 = arith.constant 0 : i32
      %dma_wait3A_854 = tpu.memref_slice %arg4[%add3A, %dma_wait3A_853] : memref<32x16xf32, #tpu.memory_space<hbm>> -> memref<1x16xf32, #tpu.memory_space<hbm>>
      %dma_wait3A_855 = tpu.memref_squeeze %dma_wait3A_854 : memref<1x16xf32, #tpu.memory_space<hbm>> -> memref<16xf32, #tpu.memory_space<hbm>>
      %dma_wait3A_856 = arith.constant 0 : i32
      %dma_wait3A_857 = tpu.memref_slice %arg4[%add3A, %dma_wait3A_856] : memref<32x16xf32, #tpu.memory_space<hbm>> -> memref<1x16xf32, #tpu.memory_space<hbm>>
      %dma_wait3A_858 = tpu.memref_squeeze %dma_wait3A_857 : memref<1x16xf32, #tpu.memory_space<hbm>> -> memref<16xf32, #tpu.memory_space<hbm>>
      tpu.wait_dma2 semaphore(%run_scoped3A : memref<!tpu.dma_semaphore, #tpu.memory_space<semaphore_mem>>) src(%arg9 : memref<16xf32, #tpu.memory_space<vmem>>) dst(%dma_wait3A_858 : memref<16xf32, #tpu.memory_space<hbm>>)
      tpu.yield
    }) : () -> ()
    return
  }
}

module attributes {stable_mosaic.version = 14 : i64} {
  func.func @_softplus_body(%arg0: memref<64x8192xf32, #tpu.memory_space<vmem>>, %arg1: memref<1x1xf32, #tpu.memory_space<smem>>) attributes {dimension_semantics = [], scalar_prefetch = 0 : i64, scratch_operands = 0 : i64, tpu.core_type = #tpu.core_type<tc>} {
    %get3A = arith.constant 0 : index
    %get3A_0 = arith.constant 0 : index
    %get3A_1 = vector.load %arg0[%get3A, %get3A_0] : memref<64x8192xf32, #tpu.memory_space<vmem>>, vector<64x8192xf32>
    %max3A = arith.constant 0.000000e+00 : f32
    %max3A_2 = vector.broadcast %max3A : f32 to vector<64x8192xf32>
    %max3A_3 = arith.maximumf %get3A_1, %max3A_2 : vector<64x8192xf32>
    %abs3A = math.absf %get3A_1 : vector<64x8192xf32>
    %neg3A = arith.constant 0.000000e+00 : f32
    %neg3A_4 = vector.broadcast %neg3A : f32 to vector<64x8192xf32>
    %neg3A_5 = arith.subf %neg3A_4, %abs3A : vector<64x8192xf32>
    %exp3A = math.exp %neg3A_5 : vector<64x8192xf32>
    %log1p3A = math.log1p %exp3A : vector<64x8192xf32>
    %add3A = arith.addf %max3A_3, %log1p3A : vector<64x8192xf32>
    %reduce_sum3A = vector.shape_cast %add3A : vector<64x8192xf32> to vector<1x64x8192xf32>
    %reduce_sum3A_6 = arith.constant dense<0.000000e+00> : vector<1xf32>
    %reduce_sum3A_7 = vector.multi_reduction <add>, %reduce_sum3A, %reduce_sum3A_6 [1, 2] : vector<1x64x8192xf32> to vector<1xf32>
    %reduce_sum3A_8 = vector.shape_cast %reduce_sum3A_7 : vector<1xf32> to vector<1x1x1xf32>
    %reduce_sum3A_9 = vector.extract %reduce_sum3A_8[0, 0, 0] : f32 from vector<1x1x1xf32>
    %swap3A = arith.constant 0 : index
    %swap3A_10 = arith.constant 0 : index
    %swap3A_11 = memref.load %arg1[%swap3A, %swap3A_10] : memref<1x1xf32, #tpu.memory_space<smem>>
    memref.store %reduce_sum3A_9, %arg1[%swap3A, %swap3A_10] : memref<1x1xf32, #tpu.memory_space<smem>>
    return
  }
}

</mosaic_0001>

<sc_bundles>
// kernel: kernel.4.cloned.1.call-start
scs
__scs_entry_jumppad:
0x0: {  	(pc) =	sbr.rel $0x88, $3  }
0x1: {  	(tag) =	ssettag $0x0;
	lr =	simm.s32 $0x1  }
0x2: {  	[smem:$0x3F9F] =	sst lr;
	_ =	strace $0xD0000000  }
0x3: {  	_ = 	snop  }
0x4: {  	_ = 	snop  }
0x5: {  	_ = 	snop  }
0x6: {  	_ = 	snop  }
0x7: {  	_ = 	snop  }
__scs_overlays_trampoline_lowered:
0x8: {  	[smem:$0x3FAE] =	sst s0  }
0x9: {  	[smem:$0x3FAF] =	sst s1  }
0xa: {  	[smem:$0x3FB0] =	sst s2  }
0xb: {  	[smem:$0x3FB1] =	sst s3  }
0xc: {  	[smem:$0x3FB2] =	sst s4  }
0xd: {  	[smem:$0x3FB3] =	sst s5  }
0xe: {  	[smem:$0x3FB4] =	sst s6  }
0xf: {  	[smem:$0x3FB5] =	sst s7  }
0x10: {  	[smem:$0x3FB6] =	sst s8  }
0x11: {  	[smem:$0x3FB7] =	sst s9;
	s0 =	simm.s32 @!p0 $0x0  }
0x12: {  	s1 =	sld [smem:$0x3F9D];
	s0 =	simm.s32 @p0 $0x1  }
0x13: {  	[smem:$0x3FB8] =	sst s0;
	s0 =	simm.s32 @!p1 $0x0  }
0x14: {  	s2 =	sld [smem:$0x3F9C];
	s0 =	simm.s32 @p1 $0x1  }
0x15: {  	[smem:$0x3FB9] =	sst s0;
	s0 =	simm.s32 @!p2 $0x0  }
0x16: {  	s3 =	sld [smem:$0x3FDB];
	s0 =	simm.s32 @p2 $0x1  }
0x17: {  	s4 =	simm.s32 $0x1BF5;
	[smem:$0x3FBB] =	sst s0  }
0x18: {  	s0 =	sld [smem:$0x3F9E];
	_ =	swait.ge [sflag:s4], $0x0  }
0x19: {  	s7 =	sld [smem:$0x3F9F]  }
0x1a: {  	s8 =	sadd.s32 $0xFFFFE003, lr  }
0x1b: {  	s9 =	sadd.s32 $0xFFFFFEF7, lr;
	s5 =	simm.s32 $0xFFFFFFFF;
	p2 =	slt.u32 s8, $0xFFFFF086  }
0x1c: {  	p1 =	slt.u32 s9, $0xF7A;
	s5 =	simm.s32 @!p2 $0x0  }
0x1d: {  	s5 =	simm.s32 @p1 $0x1;
	p0 =	seq.s32 s7, s2  }
0x1e: {  	s7 =	smul.u32 @!p0 $0xF7A, s2;
	p2 =	seq.s32 @!p0 s5, $0x0  }
0x1f: {  	s9 =	smul.u32 $0xF7A, s1;
	s8 =	simm.s32 @!p0 $0x1BF5;
	p2 =	por !p2, p0  }
0x20: {  	[sflag:s8] =	ssyncset.s32 @!p0 $0xFFFFF086;
	s6 =	sadd.s32 @!p0 s3, s7;
	s7 =	simm.s32 @!p0 $0x108  }
0x21: {  	s3 =	sadd.s32 s3, s9;
	s6 =	sadd.s32 @!p0 $0x88, s6;
	s7 =	simm.s32 @p2 $0x1082  }
0x22: {  	[simem:s7], [sflag:s8] =	dma.local @!p0 [hbm:s6], $0xF7A  }
0x23: {  	s9 =	sor.u32 $0xD0000000, s2;
	s6 =	simm.s32 $0x108;
	_ =	swait.ge @!p0 [sflag:s8], $0x0  }
0x24: {  	s3 =	sadd.s32 $0x88, s3;
	s6 =	simm.s32 @!p1 $0x1082;
	[sflag:s4] =	ssyncset.s32 $0xFFFFF086  }
0x25: {  	[simem:s6], [sflag:s4] =	dma.local [hbm:s3], $0xF7A  }
0x26: {  	[smem:$0x3F9F] =	sst s1;
	(tag) =	ssettag s2;
	_ =	strace s9  }
0x27: {  	s1 =	sld [smem:$0x3FAF]  }
0x28: {  	s2 =	sld [smem:$0x3FB0]  }
0x29: {  	s4 =	sld [smem:$0x3FB2]  }
0x2a: {  	p0 =	seq.s32 s5, $0x0;
	s5 =	sld [smem:$0x3FB3]  }
0x2b: {  	s6 =	sld [smem:$0x3FB4]  }
0x2c: {  	s7 =	sld [smem:$0x3FB5]  }
0x2d: {  	s3 =	simm.s32 $0x108;
	s8 =	sld [smem:$0x3FB6]  }
0x2e: {  	s3 =	simm.s32 @!p0 $0x1082;
	s9 =	sld [smem:$0x3FB7]  }
0x2f: {  	lr =	sadd.s32 s0, s3;
	s0 =	sld [smem:$0x3FAE]  }
0x30: {  	s3 =	sld [smem:$0x3FB1]  }
0x31: {  	[smem:$0x3FBA] =	sst s10  }
0x32: {  	s10 =	sld [smem:$0x3FB8];
	_ =	sdelay $0x3  }
0x33: {  	p0 =	seq.s32 s10, $0x1;
	s10 =	sld [smem:$0x3FBA];
	_ =	sdelay $0x3  }
0x34: {  	[smem:$0x3FBA] =	sst s10  }
0x35: {  	s10 =	sld [smem:$0x3FB9];
	_ =	sdelay $0x3  }
0x36: {  	p1 =	seq.s32 s10, $0x1;
	s10 =	sld [smem:$0x3FBA];
	_ =	sdelay $0x3  }
0x37: {  	[smem:$0x3FBA] =	sst s10  }
0x38: {  	s10 =	sld [smem:$0x3FBB]  }
0x39: {  	_ = 	snop;
	(pc) =	sbr.ind lr, $3  }
0x3a: {  	_ = 	snop  }
0x3b: {  	_ = 	snop  }
0x3c: {  	p2 =	seq.s32 s10, $0x1;
	s10 =	sld [smem:$0x3FBA]  }
0x3d: {  	_ =	shalt  }
0x3e: {  	_ =	shalt  }
0x3f: {  	_ =	shalt  }
0x40: {  	_ =	shalt  }
0x41: {  	_ =	shalt  }
0x42: {  	_ =	shalt  }
0x43: {  	_ =	shalt  }
0x44: {  	_ =	shalt  }
0x45: {  	_ =	shalt  }
0x46: {  	_ =	shalt  }
0x47: {  	_ =	shalt  }
0x48: {  	_ =	shalt  }
0x49: {  	_ =	shalt  }
0x4a: {  	_ =	shalt  }
0x4b: {  	_ =	shalt  }
0x4c: {  	_ =	shalt  }
0x4d: {  	_ =	shalt  }
0x4e: {  	_ =	shalt  }
0x4f: {  	_ =	shalt  }
0x50: {  	_ =	shalt  }
0x51: {  	_ =	shalt  }
0x52: {  	_ =	shalt  }
0x53: {  	_ =	shalt  }
0x54: {  	_ =	shalt  }
0x55: {  	_ =	shalt  }
0x56: {  	_ =	shalt  }
0x57: {  	_ =	shalt  }
0x58: {  	_ =	shalt  }
0x59: {  	_ =	shalt  }
0x5a: {  	_ =	shalt  }
0x5b: {  	_ =	shalt  }
0x5c: {  	_ =	shalt  }
0x5d: {  	_ =	shalt  }
0x5e: {  	_ =	shalt  }
0x5f: {  	_ =	shalt  }
0x60: {  	_ =	shalt  }
0x61: {  	_ =	shalt  }
0x62: {  	_ =	shalt  }
0x63: {  	_ =	shalt  }
0x64: {  	_ =	shalt  }
0x65: {  	_ =	shalt  }
0x66: {  	_ =	shalt  }
0x67: {  	_ =	shalt  }
0x68: {  	_ =	shalt  }
0x69: {  	_ =	shalt  }
0x6a: {  	_ =	shalt  }
0x6b: {  	_ =	shalt  }
0x6c: {  	_ =	shalt  }
0x6d: {  	_ =	shalt  }
0x6e: {  	_ =	shalt  }
0x6f: {  	_ =	shalt  }
0x70: {  	_ =	shalt  }
0x71: {  	_ =	shalt  }
0x72: {  	_ =	shalt  }
0x73: {  	_ =	shalt  }
0x74: {  	_ =	shalt  }
0x75: {  	_ =	shalt  }
0x76: {  	_ =	shalt  }
0x77: {  	_ =	shalt  }
0x78: {  	_ =	shalt  }
0x79: {  	_ =	shalt  }
0x7a: {  	_ =	shalt  }
0x7b: {  	_ =	shalt  }
0x7c: {  	_ =	shalt  }
0x7d: {  	_ =	shalt  }
0x7e: {  	_ =	shalt  }
0x7f: {  	_ =	shalt  }
0x80: {  	_ =	shalt  }
0x81: {  	_ =	shalt  }
0x82: {  	_ =	shalt  }
0x83: {  	_ =	shalt  }
0x84: {  	_ =	shalt  }
0x85: {  	_ =	shalt  }
0x86: {  	_ =	shalt  }
0x87: {  	_ =	shalt  }
.Lfunc_end0:
.L_simem_size_0:
called_computation_lowered:
.L_overlay_start_0:
0x88: {  	s2 =	sld [smem:$0x3FD9]  }
0x89: {  	s3 =	sld [smem:$0x3FFE];
	_ =	sdelay $0x1  }
0x8a: {  	s1 =	srdreg.scid  }
0x8b: {  	s0 =	sand.u32 $0x1, s1  }
0x8c: {  	s17 =	sshll.u32 s0, $0xA;
	s2 =	sadd.s32 s3, s2  }
0x8d: {  	s2 =	sadd.s32 s2, s17  }
0x8e: {  	[smem:$0x3FC6] =	sst s2  }
0x8f: {  	_ = 	snop  }
0x90: {  	s2 =	sld [smem:$0x3FC9]  }
0x91: {  	s18 =	sld [smem:$0x3FC8];
	(tm) =	ssettm $0x1  }
0x92: {  	s4 =	sld [smem:$0x3FFB];
	_ =	sdelay $0x3  }
0x93: {  	_ =	strace s4  }
0x94: {  	s4 =	sld [smem:$0x3FFC];
	_ =	sdelay $0x3  }
0x95: {  	_ =	strace s4  }
0x96: {  	s4 =	sld [smem:$0x3FFD];
	_ =	sdelay $0x3  }
0x97: {  	_ =	strace s4  }
0x98: {  	_ =	strace $0x8FFFFFFF  }
0x99: {  	s19 =	sld [smem:$0x3FDB];
	_ =	sdelay $0x1  }
0x9a: {  	s5 =	simm.s32 $_scs_section_size  }
0x9b: {  	s6 =	simm.s32 $_size__tile_overlayer_lowered;
	s7 =	simm.s32 $_tile_overlayer_lowered  }
0x9c: {  	s22 =	simm.s32 $0x1BFF;
	s21 =	sshll.u32 s7, $0x1;
	s4 =	sadd.s32 s5, s19  }
0x9d: {  	s8 =	simm.s32 $0x0;
	s20 =	sshll.u32 s6, $0x1;
	s6 =	sadd.s32 s21, s4  }
0x9e: {  	[timem:s8], [sflag:s22] =	dma.local [hbm:s6], s20  }
0x9f: {  	_ =	swait.ge [sflag:s22], s20  }
0xa0: {  	s5 =	ssub.s32 $0x0, s20;
	[sflag:s22] =	ssyncset.done $0x0  }
0xa1: {  	[sflag:s22] =	ssyncadd.s32 s5;
	_ =	sdelay $0x1  }
0xa2: {  	s23 =	simm.s32 $0x1B8B  }
0xa3: {  	_ =	swait.ge [sflag:s23], $0x1  }
0xa4: {  	[sflag:s23] =	ssyncset.done $0x0  }
0xa5: {  	s25 =	simm.s32 $0x1B8E;
	s24 =	sld [smem:$0x3FFE];
	[sflag:s23] =	ssyncadd.s32 $0xFFFFFFFF  }
0xa6: {  	s26 =	simm.s32 $execute0_lowered;
	[smem:$0x3FD2] =	sst s25  }
0xa7: {  	s6 =	sshll.u32 s26, $0x1;
	_ =	strace $0x80000046;
	[dreg:$0x1] =	wrdreg $0xFFFFFFFF  }
0xa8: {  	s28 =	simm.s32 $_size_execute0_lowered;
	s4 =	sadd.s32 s4, s6;
	[dreg:$0x0] =	wrdreg $0x0  }
0xa9: {  	s6 =	sshll.u32 s28, $0x1;
	[dreg:$0x2] =	wrdreg s4  }
0xaa: {  	[dreg:$0x3] =	wrdreg s6  }
0xab: {  	[dreg:$0x4] =	wrdreg $0xC0  }
0xac: {  	_ =	task [dreg:s8], $0x5FFFF  }
0xad: {  	[dreg:$0x1] =	wrdreg $0xFFFFFFFF  }
0xae: {  	[dreg:$0x0] =	wrdreg $0x60  }
0xaf: {  	[dreg:$0x2] =	wrdreg s2  }
0xb0: {  	[dreg:$0x3] =	wrdreg s18  }
0xb1: {  	[dreg:$0x4] =	wrdreg s24  }
0xb2: {  	[dreg:$0x5] =	wrdreg $0x9  }
0xb3: {  	_ =	task.clear_ibuf [dreg:s8], $0x6FFFF;
	_ =	strace $0x90000046  }
0xb4: {  	s29 =	simm.s32 $0x9;
	_ =	strace $0x80000048  }
0xb5: {  	_ =	swait.ge [sflag:s29], $0x1  }
0xb6: {  	[sflag:s29] =	ssyncadd.s32 $0xFFFFFFFF  }
0xb7: {  	_ =	strace $0x90000048  }
0xb8: {  	_ =	sfence  }
0xb9: {  	s30 =	sld [smem:$0x0];
	_ =	sdelay $0x2  }
0xba: {  	s31 =	sshll.u32 s1, $0xD;
	s1 =	sshrl.u32 s1, $0x2  }
0xbb: {  	s3 =	sand.u32 $0x4000, s31;
	s1 =	sadd.s32 s1, s30  }
0xbc: {  	s0 =	sor.u32 s3, s0;
	s1 =	sshll.u32 s1, $0x11  }
0xbd: {  	s0 =	sor.u32 s1, s0  }
0xbe: {  	s0 =	sadd.s32 $0x8F2B, s0  }
0xbf: {  	[sflag:s0] =	ssyncadd.remote.s32 $0x1  }
0xc0: {  	_ =	sfence.sel $0xFFFF  }
0xc1: {  	[dreg:$0x0] =	wrdreg $0xFFFFFFFF;
	(pc) =	sbr.abs _section_cstart, $3  }
0xc2: {  	[dreg:$0x1] =	wrdreg $0xFFFFFFFF  }
0xc3: {  	_ =	task.clear_ibuf [dreg:s8], $0x2FFFF;
	_ =	strace $0x9FFFFFFF  }
0xc4: {  	(tm) =	ssettm $0x7FFFFFFF  }
0xc5: {  	_ =	shalt  }
tec
execute0_lowered:
.L_overlay_start_1:
0x0: {  	(tag) =	ssettag $0x1  }
0x1: {  	s8 =	rddreg [dreg:$0x0]  }
0x2: {  	s4 =	rddreg [dreg:$0x1]  }
0x3: {  	s3 =	rddreg [dreg:$0x2]  }
0x4: {  	s0 =	rddreg [dreg:$0x3];
	s5 =	srdreg.scid;
	v0 =	vimm.s32 $0xFEDCBA98  }
0x5: {  	s1 =	stileid.u32;
	s2 =	simm.s32 $0x0;
	v1 =	vimm.s32 $0x76543210;
	v2 =	vimm.s32 $0xBA98FEDC;
	s12 =	simm.s32 $0x400  }
0x6: {  	v3 =	vimm.s32 $0x32107654;
	v4 =	vimm.s32 $0xDCFE98BA;
	s13 =	simm.s32 $0x800;
	s14 =	simm.s32 $0x2800;
	s15 =	simm.s32 $0x1  }
0x7: {  	v5 =	vimm.s32 $0x54761032;
	v6 =	vimm.s32 $0xEFCDAB89;
	s16 =	simm.s32 $0x2;
	s17 =	simm.s32 $0x4000;
	s18 =	simm.s32 $0x6000  }
0x8: {  	v7 =	vimm.s32 $0x67452301;
	s19 =	simm.s32 $0x3;
	s20 =	simm.s32 $0x4;
	vm0 =	vcmask $0x310;
	s21 =	simm.s32 $0x8000  }
0x9: {  	s22 =	simm.s32 $0x5;
	s23 =	simm.s32 $0x0;
	s5 =	sand.u32 $0x1, s5;
	v0 =	vunpack.c.l.s4.s8 v0;
	v1 =	vunpack.c.l.s4.s8 v1;
	v2 =	vunpack.c.l.s4.s8 v2  }
0xa: {  	s6 =	sshll.u32 s1, $0x1;
	[smem:$0x7FF] =	sst s2;
	s7 =	sshll.u32 s1, $0xC;
	v3 =	vunpack.c.l.s4.s8 v3;
	v4 =	vunpack.c.l.s4.s8 v4;
	v5 =	vunpack.c.l.s4.s8 v5  }
0xb: {  	s31 =	sadd.s32 $0x800, s4;
	v6 =	vunpack.c.l.s4.s8 v6;
	v7 =	vunpack.c.l.s4.s8 v7;
	s6 =	sor.u32 s5, s6;
	_ =	strace $0x80000047;
	v0 =	vunpack.c.0.s8.s32 v0  }
0xc: {  	s5 =	ssub.s32 $0x2, s5;
	s9 =	sshll.u32 s6, $0x5;
	s6 =	sshll.u32 s6, $0x4;
	v2 =	vunpack.c.0.s8.s32 v2;
	v3 =	vunpack.c.0.s8.s32 v3;
	v4 =	vunpack.c.0.s8.s32 v4  }
0xd: {  	s30 =	sshrl.u32 s5, $0x1;
	v5 =	vunpack.c.0.s8.s32 v5;
	v6 =	vunpack.c.0.s8.s32 v6;
	v7 =	vunpack.c.0.s8.s32 v7;
	s7 =	sor.u32 s7, s9;
	s29 =	sadd.s32 s6, s3  }
0xe: {  	vm1 =	vcmask $0x710;
	v1 =	vunpack.c.0.s8.s32 v1;
	s10 =	ssub.s32 s5, s30;
	s7 =	sand.u32 $0xE060, s7;
	v2 =	vcombine.low v3, v2;
	s9 =	sadd.s32 $0x200, s29  }
0xf: {  	s10 =	smax.u32 s10, $0x1;
	v3 =	vcombine.low v5, v4;
	v4 =	vand.u32 $0xF, v0;
	v5 =	vcombine.low v7, v6;
	s11 =	sor.u32 $0x10, s7;
	s3 =	sadd.s32 s4, s7  }
0x10: {  	vm2 =	vcmask $0xB10;
	v0 =	vlaneseq.u32;
	s5 =	sadd.s32 s7, s31;
	s7 =	sadd.s32 s8, s7;
	v1 =	vcombine.low v4, v1;
	s4 =	sadd.s32 s4, s11  }
0x11: {  	s6 =	sadd.s32 s11, s31;
	s8 =	sadd.s32 s8, s11;
	s11 =	simm.s32 $0x80;
	v2 =	vand.u32 $0xF, v2;
	v3 =	vand.u32 $0xF, v3;
	v4 =	vand.u32 $0xF, v5  }
.LBB2_1:
0x12: {  	[tilespmem:s2], [sflag:$0x1] =	stream.strided.gather [hbm4b:s3+s11], $0x800, s12, s11, $0x38;
	[tilespmem:$0x8080] =	vst v63  }
0x13: {  	s24 =	simm.s32 $0x2000  }
0x14: {  	[tilespmem:s24], [sflag:$0x2] =	stream.strided.gather [hbm4b:s4+s11], $0x800, s12, s11, $0x38;
	[tilespmem:$0x8080] =	vst v63  }
0x15: {  	_ = 	snop  }
0x16: {  	[tilespmem:s13], [sflag:$0x3] =	stream.strided.gather [hbm4b:s5+s11], $0x1800, s12, s11, $0x38;
	[tilespmem:$0x8080] =	vst v63  }
0x17: {  	_ = 	snop  }
0x18: {  	[tilespmem:s14], [sflag:$0x4] =	stream.strided.gather [hbm4b:s6+s11], $0x1800, s12, s11, $0x38;
	[tilespmem:$0x8080] =	vst v63  }
0x19: {  	_ =	swait.ge [sflag:s15], $0x800  }
0x1a: {  	[sflag:s15] =	ssyncset.done $0x0  }
0x1b: {  	[sflag:s15] =	ssyncadd.s32 $0xFFFFF800  }
0x1c: {  	_ =	swait.ge [sflag:s16], $0x800  }
0x1d: {  	[sflag:s16] =	ssyncset.done $0x0  }
0x1e: {  	[sflag:s16] =	ssyncadd.s32 $0xFFFFF800  }
0x1f: {  	[tilespmem:s17], [sflag:$0x1] =	stream.strided.gather [hbm4b:s7+s11], $0x2000, s12, s11, $0x38;
	[tilespmem:$0x8080] =	vst v63  }
0x20: {  	_ = 	snop  }
0x21: {  	[tilespmem:s18], [sflag:$0x2] =	stream.strided.gather [hbm4b:s8+s11], $0x2000, s12, s11, $0x38;
	[tilespmem:$0x8080] =	vst v63  }
0x22: {  	v5 =	vld [tilespmem:s2+$0x0]  }
0x23: {  	v8 =	vld [tilespmem:s24+$0x0];
	_ =	sdelay $0x1  }
0x24: {  	v7 =	vimm.f32 $+Inf;
	v6 =	vimm.s32 $0x2000;
	v9 =	vor.u32 s2, v0  }
0x25: {  	v14 =	vimm.s32 $0x2000;
	v17 =	vimm.f32 $+Inf;
	v15 =	vimm.s32 $0x2000  }
0x26: {  	v23 =	vimm.f32 $+Inf;
	v21 =	vimm.f32 $+Inf;
	v22 =	vimm.f32 $+Inf  }
0x27: {  	v18 =	vimm.s32 $0x2000;
	vm3 =	vlt.f32 v5, v7;
	vm4 =	vlt.f32 v8, v7  }
0x28: {  	v5 =	vsel vm3, v5, v7;
	v12 =	vsel vm3, v9, v6;
	v11 =	vsel vm4, v8, v7  }
0x29: {  	v20 =	vsel vm4, v9, v6;
	vm5 =	vlt.f32 v5, v7;
	vm3 =	vlt.f32 v11, v7  }
0x2a: {  	v19 =	vsel vm5, v5, v7;
	v8 =	vsel vm5, v6, v12;
	v10 =	vsel vm5, v7, v5  }
0x2b: {  	v24 =	vsel vm3, v11, v7;
	v5 =	vsel vm5, v12, v6;
	vm4 =	vlt.f32 v19, v7  }
0x2c: {  	v16 =	vsel vm3, v6, v20;
	vm5 =	vlt.f32 v24, v7;
	v12 =	vsel vm4, v19, v7  }
0x2d: {  	v25 =	vsel vm4, v5, v6;
	v9 =	vsel vm4, v6, v5;
	vm6 =	vlt.f32 v12, v7  }
0x2e: {  	s25 =	simm.s32 $0x10;
	s26 =	simm.s32 $0x2010;
	s24 =	simm.s32 $0x10;
	v13 =	vsel vm6, v12, v7;
	v5 =	vsel vm6, v7, v12;
	v12 =	vimm.s32 $0x2000  }
.LBB2_2:
0x2f: {  	v26 =	vld [tilespmem:s25+$0x0];
	p0 =	sne.s32 s24, $0x7F0;
	v27 =	vsel vm6, v6, v25;
	v14 =	vsel vm3, v20, v14;
	v20 =	vsel vm5, v24, v7;
	s28 =	smov.u32 s24;
	s24 =	sadd.s32 $0x10, s24  }
0x30: {  	v6 =	vsel vm6, v25, v6;
	v28 =	vld [tilespmem:s26+$0x0];
	v25 =	vsel vm5, v14, v12;
	vm6 =	vlt.f32 v20, v17  }
0x31: {  	v7 =	vsel vm6, v17, v20;
	v17 =	vsel vm6, v20, v17;
	v15 =	vsel vm6, v25, v15  }
0x32: {  	v29 =	vsel vm4, v23, v19;
	v24 =	vsel vm5, v21, v24;
	v14 =	vsel vm5, v12, v14;
	v21 =	vmovc v7  }
0x33: {  	v11 =	vsel vm3, v22, v11;
	v23 =	vmovc v5;
	v22 =	vmovc v24;
	v12 =	vsel vm6, v18, v25;
	v18 =	vmov v15  }
0x34: {  	v19 =	vor.u32 s28, v0;
	vm3 =	vlt.f32 v26, v10  }
0x35: {  	v10 =	vsel vm3, v26, v10;
	v25 =	vsel vm3, v19, v8;
	vm3 =	vlt.f32 v28, v11  }
0x36: {  	vm5 =	vlt.f32 v10, v29;
	v11 =	vsel vm3, v28, v11;
	v20 =	vsel vm3, v19, v16  }
.Ltmp0:
0x37: {  	v19 =	vsel vm5, v10, v29;
	v8 =	vsel vm5, v9, v25;
	vm3 =	vlt.f32 v11, v24;
	(pc) =	sbr.rel @p0 .LBB2_2-.Ltmp0, $4  }
0x38: {  	v10 =	vsel vm5, v29, v10;
	vm4 =	vlt.f32 v19, v5;
	v24 =	vsel vm3, v11, v24  }
0x39: {  	v9 =	vsel vm5, v25, v9;
	v26 =	vsel vm4, v19, v5;
	vm5 =	vlt.f32 v24, v7  }
0x3a: {  	v16 =	vsel vm3, v14, v20;
	v25 =	vsel vm4, v9, v27;
	vm6 =	vlt.f32 v26, v13  }
0x3b: {  	s25 =	sadd.s32 $0x10, s25;
	s26 =	sadd.s32 $0x10, s26;
	v9 =	vsel vm4, v27, v9;
	v5 =	vsel vm6, v13, v26;
	v13 =	vsel vm6, v26, v13  }
0x3c: {  	_ =	swait.ge [sflag:s19], $0x1800  }
0x3d: {  	[sflag:s19] =	ssyncset.done $0x0  }
0x3e: {  	[sflag:s19] =	ssyncadd.s32 $0xFFFFE800  }
0x3f: {  	_ =	swait.ge [sflag:s20], $0x1800  }
0x40: {  	[sflag:s20] =	ssyncset.done $0x0  }
0x41: {  	s24 =	simm.s32 $0x800;
	[sflag:s20] =	ssyncadd.s32 $0xFFFFE800  }
0x42: {  	v26 =	vld [tilespmem:s24+$0x0]  }
0x43: {  	v7 =	vsel vm5, v24, v7;
	s25 =	simm.s32 $0x2800;
	v27 =	vsel vm6, v6, v25  }
0x44: {  	v28 =	vsel vm3, v20, v14;
	v14 =	vsel vm6, v25, v6;
	vm7 =	vlt.f32 v7, v17;
	v29 =	vld [tilespmem:s25+$0x0]  }
0x45: {  	v11 =	vsel vm3, v22, v11;
	v6 =	vsel vm5, v28, v12;
	v20 =	vsel vm7, v7, v17  }
0x46: {  	v25 =	vsel vm7, v17, v7;
	v17 =	vsel vm4, v23, v19;
	v15 =	vsel vm7, v6, v15  }
0x47: {  	v7 =	vsel vm5, v21, v24;
	v24 =	vsel vm5, v12, v28;
	vm3 =	vlt.f32 v26, v10  }
0x48: {  	v12 =	vsel vm7, v18, v6;
	v6 =	vor.u32 s24, v0;
	v19 =	vsel vm3, v26, v10  }
0x49: {  	v8 =	vsel vm3, v6, v8;
	vm3 =	vlt.f32 v29, v11;
	vm4 =	vlt.f32 v19, v17  }
0x4a: {  	v10 =	vsel vm3, v29, v11;
	v18 =	vsel vm4, v19, v17  }
0x4b: {  	v26 =	vsel vm3, v6, v16;
	v6 =	vsel vm4, v9, v8;
	vm5 =	vlt.f32 v18, v5  }
0x4c: {  	vm3 =	vlt.f32 v10, v7;
	v11 =	vsel vm4, v17, v19;
	v16 =	vsel vm5, v18, v5  }
0x4d: {  	v9 =	vsel vm4, v8, v9;
	v19 =	vsel vm3, v10, v7;
	v8 =	vsel vm3, v24, v26  }
0x4e: {  	v21 =	vmovc v15;
	vm4 =	vlt.f32 v19, v25;
	v23 =	vsel vm5, v9, v27;
	vm8 =	vlt.f32 v16, v13  }
0x4f: {  	s26 =	simm.s32 $0x2810;
	s24 =	simm.s32 $0x810;
	s25 =	simm.s32 $0x810;
	v9 =	vsel vm5, v27, v9;
	v22 =	vsel vm8, v16, v13;
	v17 =	vsel vm8, v13, v16;
	v16 =	vmovc v25  }
.LBB2_4:
0x50: {  	v13 =	vld [tilespmem:s25+$0x0];
	p0 =	sne.s32 s24, $0x1FF0;
	v27 =	vsel vm8, v14, v23;
	v24 =	vsel vm3, v26, v24;
	v26 =	vsel vm4, v19, v25;
	s28 =	smov.u32 s24;
	s24 =	sadd.s32 $0x10, s24  }
0x51: {  	v14 =	vsel vm8, v23, v14;
	v28 =	vld [tilespmem:s26+$0x0];
	v23 =	vsel vm4, v24, v12;
	vm6 =	vlt.f32 v26, v20  }
0x52: {  	v25 =	vsel vm6, v20, v26;
	v20 =	vsel vm6, v26, v20;
	v15 =	vsel vm6, v23, v15  }
0x53: {  	v29 =	vsel vm5, v5, v18;
	v19 =	vsel vm4, v16, v19;
	v24 =	vsel vm4, v12, v24;
	v16 =	vmovc v25  }
0x54: {  	v10 =	vsel vm3, v7, v10;
	v5 =	vmovc v17;
	v7 =	vmovc v19;
	v12 =	vsel vm6, v21, v23;
	v21 =	vmov v15  }
0x55: {  	v18 =	vor.u32 s28, v0;
	vm3 =	vlt.f32 v13, v11  }
0x56: {  	v11 =	vsel vm3, v13, v11;
	v13 =	vsel vm3, v18, v6;
	vm3 =	vlt.f32 v28, v10  }
0x57: {  	vm4 =	vlt.f32 v11, v29;
	v10 =	vsel vm3, v28, v10;
	v26 =	vsel vm3, v18, v8  }
.Ltmp1:
0x58: {  	v18 =	vsel vm4, v11, v29;
	v6 =	vsel vm4, v9, v13;
	vm3 =	vlt.f32 v10, v19;
	(pc) =	sbr.rel @p0 .LBB2_4-.Ltmp1, $4  }
0x59: {  	v11 =	vsel vm4, v29, v11;
	vm5 =	vlt.f32 v18, v17;
	v19 =	vsel vm3, v10, v19  }
0x5a: {  	v9 =	vsel vm4, v13, v9;
	v13 =	vsel vm5, v18, v17;
	vm4 =	vlt.f32 v19, v25  }
0x5b: {  	v8 =	vsel vm3, v24, v26;
	v23 =	vsel vm5, v9, v27;
	vm8 =	vlt.f32 v13, v22  }
0x5c: {  	s25 =	sadd.s32 $0x10, s25;
	s26 =	sadd.s32 $0x10, s26;
	v9 =	vsel vm5, v27, v9;
	v17 =	vsel vm8, v22, v13;
	v22 =	vsel vm8, v13, v22  }
0x5d: {  	v25 =	vsel vm4, v19, v25  }
0x5e: {  	vm9 =	vlt.f32 v25, v20  }
0x5f: {  	v13 =	vperm.xlane v22, v1;
	v27 =	vsel vm9, v25, v20  }
0x60: {  	v28 =	vperm.xlane v27, v1  }
0x61: {  	v13 =	vmin.f32 v22, v13  }
0x62: {  	v29 =	vperm.xlane v13, v2;
	v28 =	vmin.f32 v27, v28  }
0x63: {  	v30 =	vperm.xlane v28, v2  }
0x64: {  	v13 =	vmin.f32 v13, v29  }
0x65: {  	v29 =	vperm.xlane v13, v3;
	v28 =	vmin.f32 v28, v30  }
0x66: {  	v30 =	vperm.xlane v28, v3  }
0x67: {  	v13 =	vmin.f32 v13, v29  }
0x68: {  	v29 =	vperm.xlane v13, v4;
	v28 =	vmin.f32 v28, v30  }
0x69: {  	v30 =	vperm.xlane v28, v4  }
0x6a: {  	v24 =	vsel vm3, v26, v24;
	v47 =	vsel vm8, v23, v14;
	v13 =	vmin.f32 v13, v29  }
0x6b: {  	v48 =	vsel vm4, v24, v12;
	vm6 =	veq.f32 v22, v13;
	v49 =	vmin.f32 v28, v30  }
0x6c: {  	v50 =	vsel vm9, v48, v15;
	v51 =	vnsel vm6, $0x2000, v47;
	vm10 =	veq.f32 v27, v49  }
0x6d: {  	v52 =	vperm.xlane v51, v1;
	v53 =	vnsel vm10, $0x2000, v50  }
0x6e: {  	v31 =	vperm.xlane v53, v1  }
0x6f: {  	vm7 =	vlt.s32 v51, v52  }
0x70: {  	v13 =	vsel vm7, v51, v52;
	vm15 =	vlt.s32 v53, v31  }
0x71: {  	v15 =	vperm.xlane v13, v2;
	v30 =	vsel vm15, v53, v31  }
0x72: {  	v31 =	vperm.xlane v30, v2  }
0x73: {  	vm11 =	vlt.s32 v13, v15  }
0x74: {  	v13 =	vsel vm11, v13, v15;
	vm12 =	vlt.s32 v30, v31  }
0x75: {  	v15 =	vperm.xlane v13, v3;
	v30 =	vsel vm12, v30, v31  }
0x76: {  	v31 =	vperm.xlane v30, v3  }
0x77: {  	vm13 =	vlt.s32 v13, v15  }
0x78: {  	v13 =	vsel vm13, v13, v15;
	vm14 =	vlt.s32 v30, v31  }
0x79: {  	v15 =	vperm.xlane v13, v4;
	v30 =	vsel vm14, v30, v31  }
0x7a: {  	v31 =	vperm.xlane v30, v4  }
0x7b: {  	vm15 =	vlt.s32 v13, v15  }
0x7c: {  	v15 =	vsel vm15, v13, v15;
	vm11 =	vlt.s32 v30, v31  }
0x7d: {  	vm12 =	veq.s32 v47, v15;
	v13 =	vsel vm11, v30, v31  }
0x7e: {  	vm7 =	vmand vm6, vm12;
	vm13 =	veq.s32 v50, v13  }
0x7f: {  	v54 =	vsel vm9, v20, v25;
	v55 =	vsel vm7, v17, v22;
	vm6 =	vmand vm10, vm13  }
0x80: {  	v56 =	vperm.xlane v55, v1;
	v27 =	vsel vm6, v54, v27  }
0x81: {  	v57 =	vperm.xlane v27, v1  }
0x82: {  	v25 =	vmin.f32 v55, v56  }
0x83: {  	v58 =	vperm.xlane v25, v2;
	v30 =	vmin.f32 v27, v57  }
0x84: {  	v32 =	vperm.xlane v30, v2  }
0x85: {  	v25 =	vmin.f32 v25, v58  }
0x86: {  	v31 =	vperm.xlane v25, v3;
	v30 =	vmin.f32 v30, v32  }
0x87: {  	v32 =	vperm.xlane v30, v3  }
0x88: {  	v25 =	vmin.f32 v25, v31  }
0x89: {  	v31 =	vperm.xlane v25, v4;
	v30 =	vmin.f32 v30, v32  }
0x8a: {  	v32 =	vperm.xlane v30, v4  }
0x8b: {  	v59 =	vsel vm8, v14, v23;
	v21 =	vsel vm9, v21, v48;
	v60 =	vmin.f32 v25, v31  }
0x8c: {  	v61 =	vsel vm7, v59, v47;
	vm8 =	veq.f32 v55, v60;
	v62 =	vmin.f32 v30, v32  }
0x8d: {  	v28 =	vsel vm6, v21, v50;
	v26 =	vnsel vm8, $0x2000, v61;
	vm9 =	veq.f32 v27, v62  }
0x8e: {  	v63 =	vperm.xlane v26, v1;
	v33 =	vnsel vm9, $0x2000, v28  }
0x8f: {  	v34 =	vperm.xlane v33, v1  }
0x90: {  	vm14 =	vlt.s32 v26, v63  }
0x91: {  	v23 =	vsel vm14, v26, v63;
	vm15 =	vlt.s32 v33, v34  }
0x92: {  	v26 =	vperm.xlane v23, v2;
	v29 =	vsel vm15, v33, v34  }
0x93: {  	v30 =	vperm.xlane v29, v2  }
0x94: {  	vm12 =	vlt.s32 v23, v26  }
0x95: {  	v23 =	vsel vm12, v23, v26;
	vm13 =	vlt.s32 v29, v30  }
0x96: {  	v26 =	vperm.xlane v23, v3;
	v29 =	vsel vm13, v29, v30  }
0x97: {  	v30 =	vperm.xlane v29, v3  }
0x98: {  	vm14 =	vlt.s32 v23, v26  }
0x99: {  	v23 =	vsel vm14, v23, v26;
	vm15 =	vlt.s32 v29, v30  }
0x9a: {  	v26 =	vperm.xlane v23, v4;
	v29 =	vsel vm15, v29, v30  }
0x9b: {  	v30 =	vperm.xlane v29, v4  }
0x9c: {  	vm12 =	vlt.s32 v23, v26  }
0x9d: {  	v5 =	vsel vm5, v5, v18;
	v35 =	vsel vm12, v23, v26;
	vm13 =	vlt.s32 v29, v30  }
0x9e: {  	v16 =	vsel vm4, v16, v19;
	vm10 =	veq.s32 v61, v35;
	v36 =	vsel vm13, v29, v30  }
0x9f: {  	v37 =	vsel vm7, v5, v17;
	vm8 =	vmand vm8, vm10;
	vm5 =	veq.s32 v28, v36  }
0xa0: {  	v20 =	vsel vm6, v16, v54;
	v22 =	vsel vm8, v37, v55;
	vm5 =	vmand vm9, vm5  }
0xa1: {  	v38 =	vperm.xlane v22, v1;
	v39 =	vsel vm5, v20, v27  }
0xa2: {  	v27 =	vperm.xlane v39, v1  }
0xa3: {  	v23 =	vmin.f32 v22, v38  }
0xa4: {  	v40 =	vperm.xlane v23, v2;
	v27 =	vmin.f32 v39, v27  }
0xa5: {  	v41 =	vperm.xlane v27, v2  }
0xa6: {  	v23 =	vmin.f32 v23, v40  }
0xa7: {  	v29 =	vperm.xlane v23, v3;
	v27 =	vmin.f32 v27, v41  }
0xa8: {  	v30 =	vperm.xlane v27, v3  }
0xa9: {  	v23 =	vmin.f32 v23, v29  }
0xaa: {  	v29 =	vperm.xlane v23, v4;
	v27 =	vmin.f32 v27, v30  }
0xab: {  	v42 =	vsel vm4, v12, v24;
	v30 =	vperm.xlane v27, v4  }
0xac: {  	v14 =	vsel vm7, v9, v59;
	v21 =	vsel vm6, v42, v21;
	v23 =	vmin.f32 v23, v29  }
0xad: {  	v43 =	vsel vm8, v14, v61;
	vm4 =	veq.f32 v22, v23;
	v44 =	vmin.f32 v27, v30  }
0xae: {  	v45 =	vsel vm5, v21, v28;
	v25 =	vnsel vm4, $0x2000, v43;
	vm9 =	veq.f32 v39, v44  }
0xaf: {  	v46 =	vperm.xlane v25, v1;
	v28 =	vnsel vm9, $0x2000, v45  }
0xb0: {  	v47 =	vperm.xlane v28, v1  }
0xb1: {  	vm14 =	vlt.s32 v25, v46  }
0xb2: {  	v23 =	vsel vm14, v25, v46;
	vm15 =	vlt.s32 v28, v47  }
0xb3: {  	v25 =	vperm.xlane v23, v2;
	v28 =	vsel vm15, v28, v47  }
0xb4: {  	v29 =	vperm.xlane v28, v2  }
0xb5: {  	vm12 =	vlt.s32 v23, v25  }
0xb6: {  	v23 =	vsel vm12, v23, v25;
	vm13 =	vlt.s32 v28, v29  }
0xb7: {  	v25 =	vperm.xlane v23, v3;
	v28 =	vsel vm13, v28, v29  }
0xb8: {  	v29 =	vperm.xlane v28, v3  }
0xb9: {  	vm14 =	vlt.s32 v23, v25  }
0xba: {  	v23 =	vsel vm14, v23, v25;
	vm15 =	vlt.s32 v28, v29  }
0xbb: {  	v49 =	vperm.xlane v23, v4;
	v48 =	vsel vm15, v28, v29  }
0xbc: {  	v29 =	vperm.xlane v48, v4  }
0xbd: {  	v7 =	vsel vm3, v7, v10;
	vm3 =	vlt.s32 v23, v49  }
0xbe: {  	v5 =	vsel vm7, v11, v5;
	v50 =	vsel vm3, v23, v49;
	vm3 =	vlt.s32 v48, v29  }
0xbf: {  	v7 =	vsel vm6, v7, v16;
	v51 =	vsel vm3, v48, v29;
	vm3 =	veq.s32 v43, v50  }
0xc0: {  	v5 =	vsel vm8, v5, v37;
	vm3 =	vmand vm4, vm3;
	vm10 =	veq.s32 v45, v51  }
0xc1: {  	v7 =	vsel vm5, v7, v20;
	vm4 =	vmand vm9, vm10;
	v5 =	vsel vm3, v5, v22  }
0xc2: {  	v52 =	vperm.xlane v5, v1;
	v7 =	vsel vm4, v7, v39  }
0xc3: {  	v53 =	vperm.xlane v7, v1  }
0xc4: {  	v16 =	vmin.f32 v5, v52  }
0xc5: {  	v54 =	vperm.xlane v16, v2;
	v17 =	vmin.f32 v7, v53  }
0xc6: {  	v55 =	vperm.xlane v17, v2  }
0xc7: {  	v16 =	vmin.f32 v16, v54  }
0xc8: {  	v20 =	vperm.xlane v16, v3;
	v17 =	vmin.f32 v17, v55  }
0xc9: {  	v22 =	vperm.xlane v17, v3  }
0xca: {  	v16 =	vmin.f32 v16, v20  }
0xcb: {  	v6 =	vsel vm7, v6, v9;
	v56 =	vperm.xlane v16, v4;
	v17 =	vmin.f32 v17, v22  }
0xcc: {  	v6 =	vsel vm8, v6, v14;
	v57 =	vperm.xlane v17, v4  }
0xcd: {  	v8 =	vsel vm6, v8, v42;
	v6 =	vsel vm3, v6, v43;
	v9 =	vmin.f32 v16, v56  }
0xce: {  	vm3 =	veq.f32 v5, v9;
	v5 =	vsel vm5, v8, v21;
	v58 =	vmin.f32 v17, v57  }
0xcf: {  	v6 =	vnsel vm3, $0x2000, v6;
	v5 =	vsel vm4, v5, v45;
	vm3 =	veq.f32 v7, v58  }
0xd0: {  	v7 =	vperm.xlane v6, v1;
	v5 =	vnsel vm3, $0x2000, v5  }
0xd1: {  	v59 =	vperm.xlane v5, v1  }
0xd2: {  	vm3 =	vlt.s32 v6, v7  }
0xd3: {  	v6 =	vsel vm3, v6, v7;
	vm3 =	vlt.s32 v5, v59  }
0xd4: {  	v7 =	vperm.xlane v6, v2;
	v5 =	vsel vm3, v5, v59  }
0xd5: {  	v8 =	vperm.xlane v5, v2  }
0xd6: {  	vm3 =	vlt.s32 v6, v7  }
0xd7: {  	v6 =	vsel vm3, v6, v7;
	vm3 =	vlt.s32 v5, v8  }
0xd8: {  	v7 =	vperm.xlane v6, v3;
	v5 =	vsel vm3, v5, v8  }
0xd9: {  	v8 =	vperm.xlane v5, v3  }
0xda: {  	vm11 =	vlt.s32 v6, v7  }
0xdb: {  	v6 =	vsel vm11, v6, v7;
	vm12 =	vlt.s32 v5, v8  }
0xdc: {  	vm3 =	vmmov $0x1;
	v60 =	vperm.xlane v6, v4;
	v5 =	vsel vm12, v5, v8  }
0xdd: {  	v61 =	vnsel vm3, $0x0, v13;
	v7 =	vnsel vm3, $0x0, v15;
	v8 =	vperm.xlane v5, v4  }
0xde: {  	v62 =	vsel vm0, v61, v36;
	v7 =	vsel vm0, v7, v35;
	vm13 =	vlt.s32 v6, v60  }
0xdf: {  	_ =	swait.ge [sflag:s15], $0x2000;
	v7 =	vsel vm1, v7, v50;
	v6 =	vsel vm13, v6, v60;
	vm14 =	vlt.s32 v5, v8  }
0xe0: {  	[sflag:s15] =	ssyncset.done $0x0;
	v6 =	vsel vm2, v7, v6;
	v7 =	vsel vm1, v62, v51;
	v5 =	vsel vm14, v5, v8  }
0xe1: {  	[sflag:s15] =	ssyncadd.s32 $0xFFFFE000;
	v5 =	vsel vm2, v7, v5  }
0xe2: {  	_ =	swait.ge [sflag:s16], $0x2000  }
0xe3: {  	[sflag:s16] =	ssyncset.done $0x0  }
0xe4: {  	[sflag:s16] =	ssyncadd.s32 $0xFFFFE000  }
0xe5: {  	v6 =	vld.idx.msk [tilespmem:v6+s17+$0x0], $0xffff  }
0xe6: {  	v5 =	vld.idx.msk [tilespmem:v5+s18+$0x0], $0xffff;
	_ =	sdelay $0x3  }
0xe7: {  	vm15 =	vmmov $0xf  }
0xe8: {  	v6 =	vnsel vm15, $0x0, v6;
	v5 =	vnsel vm15, $0x0, v5  }
0xe9: {  	v7 =	vperm.xlane v6, v1;
	v63 =	vperm.xlane v5, v1;
	_ =	sdelay $0x1  }
0xea: {  	v6 =	vadd.f32 v7, v6;
	v5 =	vadd.f32 v63, v5;
	_ =	sdelay $0x1  }
0xeb: {  	v7 =	vperm.xlane v6, v2;
	v8 =	vperm.xlane v5, v2;
	_ =	sdelay $0x1  }
0xec: {  	v6 =	vadd.f32 v7, v6;
	v5 =	vadd.f32 v8, v5;
	_ =	sdelay $0x1  }
0xed: {  	v7 =	vperm.xlane v6, v3;
	v8 =	vperm.xlane v5, v3;
	_ =	sdelay $0x1  }
0xee: {  	v6 =	vadd.f32 v7, v6;
	v5 =	vadd.f32 v8, v5;
	_ =	sdelay $0x1  }
0xef: {  	v7 =	vperm.xlane v6, v4;
	v8 =	vperm.xlane v5, v4;
	_ =	sdelay $0x1  }
0xf0: {  	v6 =	vadd.f32 v7, v6;
	v5 =	vadd.f32 v8, v5;
	_ =	sdelay $0x1  }
0xf1: {  	v5 =	vadd.f32 v5, v6  }
0xf2: {  	s23 =	sadd.s32 $0x1, s23  }
0xf3: {  	p0 =	sne.s32 s23, s10;
	v5 =	vnsel vm3, $0x0, v5  }
.Ltmp2:
0xf4: {  	[tilespmem:$0x8000] =	vst v5;
	(pc) =	sbr.rel @p0 .LBB2_1-.Ltmp2, $4  }
0xf5: {  	[hbm4b:s9+s2] =	stream.linear.scatter [tilespmem:s21], [sflag:$0x5], $0x80, $0x38;
	[tilespmem:$0x8080] =	vst v63  }
0xf6: {  	_ =	swait.ge [sflag:s22], $0x80  }
0xf7: {  	[sflag:s22] =	ssyncset.done $0x0  }
0xf8: {  	[sflag:s22] =	ssyncadd.s32 $0xFFFFFF80  }
0xf9: {  	_ =	sfence.sel $0x180000  }
0xfa: {  	[bflag:$0x0] =	sbarrier.arrive $0xFFFF  }
0xfb: {  	p0 =	sne.s32 s1, $0x0;
	_ =	strace $0x90000047  }
0xfc: {  	s0 =	sadd.s32 @!p0 $0x100000, s0;
	[bflag:$0x2] =	sbarrier.arrive $0xFFFF  }
0xfd: {  	[sflag:s0] =	ssyncadd.tile.s32 @!p0 $0x1;
	_ =	shalt  }
.Lfunc_end2:
_tile_overlayer_lowered:
.L_overlay_start_2:
0xfe: {  	(tag) =	ssettag $0x2  }
0xff: {  	s0 =	rddreg [dreg:$0x0];
	s2 =	stileid.u32  }
0x100: {  	s1 =	rddreg [dreg:$0x1];
	p0 =	sne.s32 s2, $0x0  }
0x101: {  	s3 =	rddreg [dreg:$0x2];
	[bflag:$0x3] =	sbarrier.arrive $0xFFFF;
	s2 =	simm.s32 @!p0 $0x1C05  }
0x102: {  	[timem:s3], [sflag:s2] =	dma.local @!p0 [hbm:s0], s1  }
0x103: {  	s0 =	simm.s32 @!p0 $0x5  }
0x104: {  	_ =	swait.ge @!p0 [sflag:s0], s1  }
0x105: {  	s1 =	ssub.s32 @!p0 $0x0, s1;
	[sflag:s0] =	ssyncset.done @!p0 $0x0  }
0x106: {  	[sflag:s0] =	ssyncadd.s32 @!p0 s1  }
0x107: {  	[bflag:$0x3] =	sbarrier.arrive $0xFFFF  }
0x108: {  	_ =	shalt  }

</sc_bundles>
